<compile_context>
chip_gen: v7x
topology: tpu7x:2x2x1
jax: 0.10.2.dev20260603
libtpu: 0.0.44.dev20260713+nightly
codegen_flags: <defaults>
</compile_context>

<pallas_src>
import functools

import jax
import jax.numpy as jnp
from jax import lax
from jax.experimental import pallas as pl
from jax.experimental.pallas import tpu as pltpu
from jax.experimental.pallas import tpu_sc as plsc

_NC = 2
_NS = 16
_NW = _NC * _NS
_L = 16


def _sc_gather_cols(t2, tails, idx_t, coef_t, n_rows, v, b, d):
  rows_per_w = n_rows // _NW
  nvec = b // _L
  nf = n_rows // d
  v_al = (v // 128) * 128
  sz_a = (v_al // 256) * 128
  sz_b = v_al - sz_a
  mesh = plsc.VectorSubcoreMesh(core_axis_name="c", subcore_axis_name="s")

  @functools.partial(
      pl.kernel,
      out_type=jax.ShapeDtypeStruct((n_rows, b), jnp.float32),
      mesh=mesh,
      scratch_types=[
          pltpu.VMEM((sz_a,), jnp.float32),
          pltpu.VMEM((sz_b + 128,), jnp.float32),
          pltpu.VMEM((2, b), jnp.int32),
          pltpu.VMEM((2, b), jnp.float32),
          pltpu.VMEM((2, b), jnp.float32),
          pltpu.SemaphoreType.DMA,
          pltpu.SemaphoreType.DMA,
          pltpu.SemaphoreType.DMA,
      ],
      compiler_params=pltpu.CompilerParams(needs_layout_passes=False),
  )
  def gather_kernel(t2_hbm, tails_hbm, idx_hbm, coef_hbm, out_hbm, buf_a,
                    buf_b, idxbuf, coefbuf, outbuf, asem, bsem, osem):
    sid = lax.axis_index("s")
    wid = sid * _NC + lax.axis_index("c")
    r0 = wid * rows_per_w
    j0 = r0 // d
    j1 = jnp.minimum(j0 + 1, nf - 1)

    def copy_a(r):
      return pltpu.make_async_copy(t2_hbm.at[r].at[pl.ds(0, sz_a)], buf_a,
                                   asem)

    def copy_b(r):
      return pltpu.make_async_copy(t2_hbm.at[r].at[pl.ds(sz_a, sz_b)],
                                   buf_b.at[pl.ds(0, sz_b)], bsem)

    def copy_t(r):
      return pltpu.make_async_copy(tails_hbm.at[r],
                                   buf_b.at[pl.ds(sz_b, 128)], bsem)

    pf = [
        pltpu.make_async_copy(idx_hbm.at[j0], idxbuf.at[0], osem),
        pltpu.make_async_copy(idx_hbm.at[j1], idxbuf.at[1], osem),
        pltpu.make_async_copy(coef_hbm.at[j0], coefbuf.at[0], osem),
        pltpu.make_async_copy(coef_hbm.at[j1], coefbuf.at[1], osem),
    ]
    for cp in pf:
      cp.start()
    copy_a(r0).start()
    copy_b(r0).start()
    copy_t(r0).start()
    for cp in pf:
      cp.wait()

    def row_body(k, carry):
      r = r0 + k
      jl = r // d - j0
      kb = k % 2
      dst = out_hbm.at[r]

      @pl.when(k >= 2)
      def _drain():
        pltpu.make_async_copy(outbuf.at[0], dst, osem).wait()

      copy_a(r).wait()

      @plsc.parallel_loop(0, nvec, 1, unroll=8)
      def g_a(i):
        off = pl.multiple_of(i * _L, _L)
        iv = idxbuf[jl, pl.ds(off, _L)]
        m = iv < sz_a
        ivc = jnp.where(m, iv, 0)
        vals = plsc.load_gather(buf_a, [ivc])
        outbuf[kb, pl.ds(off, _L)] = vals * coefbuf[jl, pl.ds(off, _L)]

      @pl.when(k + 1 < rows_per_w)
      def _next_a():
        copy_a(r + 1).start()

      copy_b(r).wait()
      copy_t(r).wait()

      @plsc.parallel_loop(0, nvec, 1, unroll=8)
      def g_b(i):
        off = pl.multiple_of(i * _L, _L)
        iv = idxbuf[jl, pl.ds(off, _L)]
        ivb = iv - sz_a
        m = iv >= sz_a
        ivc = jnp.where(m, ivb, 0)
        vals = plsc.load_gather(buf_b, [ivc])
        prev = outbuf[kb, pl.ds(off, _L)]
        outbuf[kb, pl.ds(off, _L)] = jnp.where(
            m, vals * coefbuf[jl, pl.ds(off, _L)], prev)

      @pl.when(k + 1 < rows_per_w)
      def _next_b():
        copy_b(r + 1).start()
        copy_t(r + 1).start()

      pltpu.make_async_copy(outbuf.at[kb], dst, osem).start()
      return carry

    lax.fori_loop(0, rows_per_w, row_body, 0)
    pltpu.make_async_copy(outbuf.at[0], out_hbm.at[r0], osem).wait()
    pltpu.make_async_copy(outbuf.at[1], out_hbm.at[r0], osem).wait()

  return gather_kernel(t2, tails, idx_t, coef_t)


def _dense_body(x_ref, wk_ref, femb_ref, w0_ref, out_ref):
  x = x_ref[...]
  y = jnp.dot(wk_ref[...], x, preferred_element_type=jnp.float32)
  ffi = jnp.sum(x * femb_ref[...], axis=0)
  inter = 0.5 * jnp.sum(x * y, axis=0)
  out_ref[...] = w0_ref[0, 0] + ffi + inter


def _tc_dense(x_cols, wkron, femb_col, w0):
  fd, b = x_cols.shape
  bb = 2048
  grid = (b // bb,)
  return pl.pallas_call(
      _dense_body,
      grid=grid,
      in_specs=[
          pl.BlockSpec((fd, bb), lambda i: (0, i)),
          pl.BlockSpec((fd, fd), lambda i: (0, 0)),
          pl.BlockSpec((fd, 1), lambda i: (0, 0)),
          pl.BlockSpec(memory_space=pltpu.SMEM),
      ],
      out_specs=pl.BlockSpec((bb,), lambda i: (i,)),
      out_shape=jax.ShapeDtypeStruct((b,), jnp.float32),
  )(x_cols, wkron, femb_col, w0)


@jax.jit
def kernel(index, coef, tables, field_emb, W, w0):
  b, f = index.shape
  _, v, d = tables.shape
  fd = f * d

  t2 = tables.transpose(0, 2, 1).reshape(fd, v)
  tails = jnp.pad(t2[:, (v // 128) * 128:], ((0, 0), (0, 128 - v % 128)))
  idx_t = index.T
  coef_t = coef.T

  x_cols = _sc_gather_cols(t2, tails, idx_t, coef_t, fd, v, b, d)

  sym_w = (W + W.T) * 0.5
  wp = sym_w * (1.0 - jnp.eye(f, dtype=jnp.float32))
  wkron = jnp.kron(wp, jnp.eye(d, dtype=jnp.float32))
  femb_col = field_emb.reshape(fd, 1)
  w0s = w0.reshape(1, 1)

  out = _tc_dense(x_cols, wkron, femb_col, w0s)
  cfe = x_cols.reshape(f, d, b).transpose(2, 0, 1)
  return out, cfe

# --- scband reference (transcript-rebuilt; emitter-appended) ---
"""Pipeline reference for scband-field-weighted-factorization-machine-60309930770650 (READ-ONLY COPY).

The authoritative reference and input builder live on the scoring server;
editing this copy changes nothing except your own understanding.
"""

import jax, jax.numpy as jnp
import numpy as np

B, F, V, D = 4096, 26, 100000, 16

def setup_inputs(seed: int = 0) -> dict:
    key = jax.random.key(seed)
    ks = jax.random.split(key, 6)
    index = jax.random.randint(ks[0], (B, F), 0, V, dtype=jnp.int32)
    coef = jax.random.uniform(ks[1], (B, F), dtype=jnp.float32)
    # one embedding table per field, stacked: [F, V, D]
    tables = jax.random.normal(ks[2], (F, V, D), dtype=jnp.float32) * 0.05
    # field embedding: [F, D]
    field_emb = jax.random.normal(ks[3], (F, D), dtype=jnp.float32) * 0.05
    # dense kernel (units=F built on input dim F): [F, F]
    W = jax.random.normal(ks[4], (F, F), dtype=jnp.float32) * 0.1
    # global bias w0: [1]
    w0 = jax.random.normal(ks[5], (1,), dtype=jnp.float32)
    return {"index": index, "coef": coef, "tables": tables, "field_emb": field_emb, "W": W, "w0": w0}

def reference(index, coef, tables, field_emb, W, w0):
    b, f = index.shape
    batch_w0 = jnp.tile(w0, (b,))
    # per-field embedding lookup: feature_embs[i, j, :] = tables[j][index[i, j]]
    feature_embs = tables[jnp.arange(f)[None, :], index]  # [B, F, D]
    # linear (feature-field) term
    ffi = jnp.sum(feature_embs * field_emb[None, :, :] * coef[:, :, None], axis=(1, 2))
    coef_feature_embs = feature_embs * coef[:, :, None]  # [B, F, D]
    # pairwise interactions: outer over fields, summed over embedding dim
    all_interaction = jnp.einsum('ijk,ilk->ijl', coef_feature_embs, coef_feature_embs)  # [B, F, F]
    symmetric_W = (W + W.T) / 2.0
    weighted_all = all_interaction * symmetric_W[None, :, :]
    weighted_interaction = (jnp.sum(weighted_all, axis=(1, 2)) - jnp.sum(jnp.diagonal(weighted_all, axis1=1, axis2=2), axis=-1)) / 2.0
    output = batch_w0 + ffi + weighted_interaction
    return (output, coef_feature_embs)

if __name__ == "__main__":
    import jax
    _d = setup_inputs()
    print(jax.jit(kernel)(*tuple(_d.values())))

</pallas_src>

<mosaic_0001>
#map = affine_map<(d0, d1) -> (0, 0)>
module attributes {stable_mosaic.version = 14 : i64} {
  func.func @gather_kernel(%arg0: i32, %arg1: i32, %arg2: memref<416x100000xf32, #tpu.memory_space<hbm>>, %arg3: memref<416x128xf32, #tpu.memory_space<hbm>>, %arg4: memref<26x4096xi32, #tpu.memory_space<hbm>>, %arg5: memref<26x4096xf32, #tpu.memory_space<hbm>>, %arg6: memref<416x4096xf32, #tpu.memory_space<hbm>>, %arg7: memref<49920xf32, #tpu.memory_space<vmem>>, %arg8: memref<50176xf32, #tpu.memory_space<vmem>>, %arg9: memref<2x4096xi32, #tpu.memory_space<vmem>>, %arg10: memref<2x4096xf32, #tpu.memory_space<vmem>>, %arg11: memref<2x4096xf32, #tpu.memory_space<vmem>>, %arg12: memref<!tpu.dma_semaphore, #tpu.memory_space<semaphore_mem>>, %arg13: memref<!tpu.dma_semaphore, #tpu.memory_space<semaphore_mem>>, %arg14: memref<!tpu.dma_semaphore, #tpu.memory_space<semaphore_mem>>) attributes {dimension_semantics = [#tpu.dimension_semantics<core_parallel>, #tpu.dimension_semantics<subcore_parallel>], iteration_bounds = array<i64: 2, 16>, scalar_prefetch = 0 : i64, scratch_operands = 8 : i64, tpu.core_type = #tpu.core_type<sc_vector_subcore>, window_params = [{transform_indices = #map}, {transform_indices = #map}, {transform_indices = #map}, {transform_indices = #map}, {transform_indices = #map}]} {
    %mul3A = arith.constant 2 : i32
    %mul3A_0 = arith.muli %arg1, %mul3A : i32
    %add3A = arith.addi %mul3A_0, %arg0 : i32
    %mul3A_1 = arith.constant 13 : i32
    %mul3A_2 = arith.muli %add3A, %mul3A_1 : i32
    %jit3A = arith.constant 16 : i32
    %div3A = arith.divsi %mul3A_2, %jit3A : i32
    %sign3A = arith.constant 0 : i32
    %sign3A_3 = arith.cmpi sgt, %mul3A_2, %sign3A : i32
    %sign3A_4 = arith.extui %sign3A_3 : i1 to i32
    %sign3A_5 = arith.constant 0 : i32
    %sign3A_6 = arith.cmpi slt, %mul3A_2, %sign3A_5 : i32
    %sign3A_7 = arith.extui %sign3A_6 : i1 to i32
    %sign3A_8 = arith.subi %sign3A_4, %sign3A_7 : i32
    %sign3A_9 = arith.constant 0 : i32
    %sign3A_10 = arith.cmpi sgt, %jit3A, %sign3A_9 : i32
    %sign3A_11 = arith.extui %sign3A_10 : i1 to i32
    %sign3A_12 = arith.constant 0 : i32
    %sign3A_13 = arith.cmpi slt, %jit3A, %sign3A_12 : i32
    %sign3A_14 = arith.extui %sign3A_13 : i1 to i32
    %sign3A_15 = arith.subi %sign3A_11, %sign3A_14 : i32
    %ne3A = arith.cmpi ne, %sign3A_8, %sign3A_15 : i32
    %rem3A = arith.remsi %mul3A_2, %jit3A : i32
    %ne3A_16 = arith.constant 0 : i32
    %ne3A_17 = arith.cmpi ne, %rem3A, %ne3A_16 : i32
    %and3A = arith.andi %ne3A, %ne3A_17 : i1
    %sub3A = arith.constant 1 : i32
    %sub3A_18 = arith.subi %div3A, %sub3A : i32
    %select_n3A = arith.select %and3A, %sub3A_18, %div3A : i32
    %add3A_19 = arith.constant 1 : i32
    %add3A_20 = arith.addi %select_n3A, %add3A_19 : i32
    %min3A = arith.constant 25 : i32
    %min3A_21 = arith.minsi %add3A_20, %min3A : i32
    %dma_start3A = arith.constant 0 : i32
    %dma_start3A_22 = arith.constant 0 : i32
    %dma_start3A_23 = tpu.memref_slice %arg9[%dma_start3A, %dma_start3A_22] : memref<2x4096xi32, #tpu.memory_space<vmem>> -> memref<1x4096xi32, #tpu.memory_space<vmem>>
    %dma_start3A_24 = tpu.memref_squeeze %dma_start3A_23 : memref<1x4096xi32, #tpu.memory_space<vmem>> -> memref<4096xi32, #tpu.memory_space<vmem>>
    %dma_start3A_25 = arith.constant 0 : i32
    %dma_start3A_26 = tpu.memref_slice %arg4[%select_n3A, %dma_start3A_25] : memref<26x4096xi32, #tpu.memory_space<hbm>> -> memref<1x4096xi32, #tpu.memory_space<hbm>>
    %dma_start3A_27 = tpu.memref_squeeze %dma_start3A_26 : memref<1x4096xi32, #tpu.memory_space<hbm>> -> memref<4096xi32, #tpu.memory_space<hbm>>
    %dma_start3A_28 = arith.constant 0 : i32
    %dma_start3A_29 = tpu.memref_slice %arg9[%dma_start3A, %dma_start3A_28] : memref<2x4096xi32, #tpu.memory_space<vmem>> -> memref<1x4096xi32, #tpu.memory_space<vmem>>
    %dma_start3A_30 = tpu.memref_squeeze %dma_start3A_29 : memref<1x4096xi32, #tpu.memory_space<vmem>> -> memref<4096xi32, #tpu.memory_space<vmem>>
    %dma_start3A_31 = arith.constant 0 : i32
    %dma_start3A_32 = tpu.memref_slice %arg4[%select_n3A, %dma_start3A_31] : memref<26x4096xi32, #tpu.memory_space<hbm>> -> memref<1x4096xi32, #tpu.memory_space<hbm>>
    %dma_start3A_33 = tpu.memref_squeeze %dma_start3A_32 : memref<1x4096xi32, #tpu.memory_space<hbm>> -> memref<4096xi32, #tpu.memory_space<hbm>>
    tpu.enqueue_dma source(%dma_start3A_33 : memref<4096xi32, #tpu.memory_space<hbm>>) target(%dma_start3A_30 : memref<4096xi32, #tpu.memory_space<vmem>>) target_semaphore(%arg14 : memref<!tpu.dma_semaphore, #tpu.memory_space<semaphore_mem>>)
    %dma_start3A_34 = arith.constant 1 : i32
    %dma_start3A_35 = arith.constant 0 : i32
    %dma_start3A_36 = tpu.memref_slice %arg9[%dma_start3A_34, %dma_start3A_35] : memref<2x4096xi32, #tpu.memory_space<vmem>> -> memref<1x4096xi32, #tpu.memory_space<vmem>>
    %dma_start3A_37 = tpu.memref_squeeze %dma_start3A_36 : memref<1x4096xi32, #tpu.memory_space<vmem>> -> memref<4096xi32, #tpu.memory_space<vmem>>
    %dma_start3A_38 = arith.constant 0 : i32
    %dma_start3A_39 = tpu.memref_slice %arg4[%min3A_21, %dma_start3A_38] : memref<26x4096xi32, #tpu.memory_space<hbm>> -> memref<1x4096xi32, #tpu.memory_space<hbm>>
    %dma_start3A_40 = tpu.memref_squeeze %dma_start3A_39 : memref<1x4096xi32, #tpu.memory_space<hbm>> -> memref<4096xi32, #tpu.memory_space<hbm>>
    %dma_start3A_41 = arith.constant 0 : i32
    %dma_start3A_42 = tpu.memref_slice %arg9[%dma_start3A_34, %dma_start3A_41] : memref<2x4096xi32, #tpu.memory_space<vmem>> -> memref<1x4096xi32, #tpu.memory_space<vmem>>
    %dma_start3A_43 = tpu.memref_squeeze %dma_start3A_42 : memref<1x4096xi32, #tpu.memory_space<vmem>> -> memref<4096xi32, #tpu.memory_space<vmem>>
    %dma_start3A_44 = arith.constant 0 : i32
    %dma_start3A_45 = tpu.memref_slice %arg4[%min3A_21, %dma_start3A_44] : memref<26x4096xi32, #tpu.memory_space<hbm>> -> memref<1x4096xi32, #tpu.memory_space<hbm>>
    %dma_start3A_46 = tpu.memref_squeeze %dma_start3A_45 : memref<1x4096xi32, #tpu.memory_space<hbm>> -> memref<4096xi32, #tpu.memory_space<hbm>>
    tpu.enqueue_dma source(%dma_start3A_46 : memref<4096xi32, #tpu.memory_space<hbm>>) target(%dma_start3A_43 : memref<4096xi32, #tpu.memory_space<vmem>>) target_semaphore(%arg14 : memref<!tpu.dma_semaphore, #tpu.memory_space<semaphore_mem>>)
    %dma_start3A_47 = arith.constant 0 : i32
    %dma_start3A_48 = arith.constant 0 : i32
    %dma_start3A_49 = tpu.memref_slice %arg10[%dma_start3A_47, %dma_start3A_48] : memref<2x4096xf32, #tpu.memory_space<vmem>> -> memref<1x4096xf32, #tpu.memory_space<vmem>>
    %dma_start3A_50 = tpu.memref_squeeze %dma_start3A_49 : memref<1x4096xf32, #tpu.memory_space<vmem>> -> memref<4096xf32, #tpu.memory_space<vmem>>
    %dma_start3A_51 = arith.constant 0 : i32
    %dma_start3A_52 = tpu.memref_slice %arg5[%select_n3A, %dma_start3A_51] : memref<26x4096xf32, #tpu.memory_space<hbm>> -> memref<1x4096xf32, #tpu.memory_space<hbm>>
    %dma_start3A_53 = tpu.memref_squeeze %dma_start3A_52 : memref<1x4096xf32, #tpu.memory_space<hbm>> -> memref<4096xf32, #tpu.memory_space<hbm>>
    %dma_start3A_54 = arith.constant 0 : i32
    %dma_start3A_55 = tpu.memref_slice %arg10[%dma_start3A_47, %dma_start3A_54] : memref<2x4096xf32, #tpu.memory_space<vmem>> -> memref<1x4096xf32, #tpu.memory_space<vmem>>
    %dma_start3A_56 = tpu.memref_squeeze %dma_start3A_55 : memref<1x4096xf32, #tpu.memory_space<vmem>> -> memref<4096xf32, #tpu.memory_space<vmem>>
    %dma_start3A_57 = arith.constant 0 : i32
    %dma_start3A_58 = tpu.memref_slice %arg5[%select_n3A, %dma_start3A_57] : memref<26x4096xf32, #tpu.memory_space<hbm>> -> memref<1x4096xf32, #tpu.memory_space<hbm>>
    %dma_start3A_59 = tpu.memref_squeeze %dma_start3A_58 : memref<1x4096xf32, #tpu.memory_space<hbm>> -> memref<4096xf32, #tpu.memory_space<hbm>>
    tpu.enqueue_dma source(%dma_start3A_59 : memref<4096xf32, #tpu.memory_space<hbm>>) target(%dma_start3A_56 : memref<4096xf32, #tpu.memory_space<vmem>>) target_semaphore(%arg14 : memref<!tpu.dma_semaphore, #tpu.memory_space<semaphore_mem>>)
    %dma_start3A_60 = arith.constant 1 : i32
    %dma_start3A_61 = arith.constant 0 : i32
    %dma_start3A_62 = tpu.memref_slice %arg10[%dma_start3A_60, %dma_start3A_61] : memref<2x4096xf32, #tpu.memory_space<vmem>> -> memref<1x4096xf32, #tpu.memory_space<vmem>>
    %dma_start3A_63 = tpu.memref_squeeze %dma_start3A_62 : memref<1x4096xf32, #tpu.memory_space<vmem>> -> memref<4096xf32, #tpu.memory_space<vmem>>
    %dma_start3A_64 = arith.constant 0 : i32
    %dma_start3A_65 = tpu.memref_slice %arg5[%min3A_21, %dma_start3A_64] : memref<26x4096xf32, #tpu.memory_space<hbm>> -> memref<1x4096xf32, #tpu.memory_space<hbm>>
    %dma_start3A_66 = tpu.memref_squeeze %dma_start3A_65 : memref<1x4096xf32, #tpu.memory_space<hbm>> -> memref<4096xf32, #tpu.memory_space<hbm>>
    %dma_start3A_67 = arith.constant 0 : i32
    %dma_start3A_68 = tpu.memref_slice %arg10[%dma_start3A_60, %dma_start3A_67] : memref<2x4096xf32, #tpu.memory_space<vmem>> -> memref<1x4096xf32, #tpu.memory_space<vmem>>
    %dma_start3A_69 = tpu.memref_squeeze %dma_start3A_68 : memref<1x4096xf32, #tpu.memory_space<vmem>> -> memref<4096xf32, #tpu.memory_space<vmem>>
    %dma_start3A_70 = arith.constant 0 : i32
    %dma_start3A_71 = tpu.memref_slice %arg5[%min3A_21, %dma_start3A_70] : memref<26x4096xf32, #tpu.memory_space<hbm>> -> memref<1x4096xf32, #tpu.memory_space<hbm>>
    %dma_start3A_72 = tpu.memref_squeeze %dma_start3A_71 : memref<1x4096xf32, #tpu.memory_space<hbm>> -> memref<4096xf32, #tpu.memory_space<hbm>>
    tpu.enqueue_dma source(%dma_start3A_72 : memref<4096xf32, #tpu.memory_space<hbm>>) target(%dma_start3A_69 : memref<4096xf32, #tpu.memory_space<vmem>>) target_semaphore(%arg14 : memref<!tpu.dma_semaphore, #tpu.memory_space<semaphore_mem>>)
    %dma_start3A_73 = arith.constant 0 : i32
    %dma_start3A_74 = tpu.memref_slice %arg2[%mul3A_2, %dma_start3A_73] : memref<416x100000xf32, #tpu.memory_space<hbm>> -> memref<1x100000xf32, #tpu.memory_space<hbm>>
    %dma_start3A_75 = tpu.memref_squeeze %dma_start3A_74 : memref<1x100000xf32, #tpu.memory_space<hbm>> -> memref<100000xf32, #tpu.memory_space<hbm>>
    %dma_start3A_76 = arith.constant 0 : i32
    %dma_start3A_77 = tpu.memref_slice %dma_start3A_75[%dma_start3A_76] : memref<100000xf32, #tpu.memory_space<hbm>> -> memref<49920xf32, #tpu.memory_space<hbm>>
    %dma_start3A_78 = arith.constant 0 : i32
    %dma_start3A_79 = tpu.memref_slice %arg2[%mul3A_2, %dma_start3A_78] : memref<416x100000xf32, #tpu.memory_space<hbm>> -> memref<1x100000xf32, #tpu.memory_space<hbm>>
    %dma_start3A_80 = tpu.memref_squeeze %dma_start3A_79 : memref<1x100000xf32, #tpu.memory_space<hbm>> -> memref<100000xf32, #tpu.memory_space<hbm>>
    %dma_start3A_81 = arith.constant 0 : i32
    %dma_start3A_82 = tpu.memref_slice %dma_start3A_80[%dma_start3A_81] : memref<100000xf32, #tpu.memory_space<hbm>> -> memref<49920xf32, #tpu.memory_space<hbm>>
    tpu.enqueue_dma source(%dma_start3A_82 : memref<49920xf32, #tpu.memory_space<hbm>>) target(%arg7 : memref<49920xf32, #tpu.memory_space<vmem>>) target_semaphore(%arg12 : memref<!tpu.dma_semaphore, #tpu.memory_space<semaphore_mem>>)
    %dma_start3A_83 = arith.constant 0 : i32
    %dma_start3A_84 = tpu.memref_slice %arg8[%dma_start3A_83] : memref<50176xf32, #tpu.memory_space<vmem>> -> memref<50048xf32, #tpu.memory_space<vmem>>
    %dma_start3A_85 = arith.constant 0 : i32
    %dma_start3A_86 = tpu.memref_slice %arg2[%mul3A_2, %dma_start3A_85] : memref<416x100000xf32, #tpu.memory_space<hbm>> -> memref<1x100000xf32, #tpu.memory_space<hbm>>
    %dma_start3A_87 = tpu.memref_squeeze %dma_start3A_86 : memref<1x100000xf32, #tpu.memory_space<hbm>> -> memref<100000xf32, #tpu.memory_space<hbm>>
    %dma_start3A_88 = arith.constant 49920 : i32
    %dma_start3A_89 = tpu.memref_slice %dma_start3A_87[%dma_start3A_88] : memref<100000xf32, #tpu.memory_space<hbm>> -> memref<50048xf32, #tpu.memory_space<hbm>>
    %dma_start3A_90 = arith.constant 0 : i32
    %dma_start3A_91 = tpu.memref_slice %arg8[%dma_start3A_90] : memref<50176xf32, #tpu.memory_space<vmem>> -> memref<50048xf32, #tpu.memory_space<vmem>>
    %dma_start3A_92 = arith.constant 0 : i32
    %dma_start3A_93 = tpu.memref_slice %arg2[%mul3A_2, %dma_start3A_92] : memref<416x100000xf32, #tpu.memory_space<hbm>> -> memref<1x100000xf32, #tpu.memory_space<hbm>>
    %dma_start3A_94 = tpu.memref_squeeze %dma_start3A_93 : memref<1x100000xf32, #tpu.memory_space<hbm>> -> memref<100000xf32, #tpu.memory_space<hbm>>
    %dma_start3A_95 = arith.constant 49920 : i32
    %dma_start3A_96 = tpu.memref_slice %dma_start3A_94[%dma_start3A_95] : memref<100000xf32, #tpu.memory_space<hbm>> -> memref<50048xf32, #tpu.memory_space<hbm>>
    tpu.enqueue_dma source(%dma_start3A_96 : memref<50048xf32, #tpu.memory_space<hbm>>) target(%dma_start3A_91 : memref<50048xf32, #tpu.memory_space<vmem>>) target_semaphore(%arg13 : memref<!tpu.dma_semaphore, #tpu.memory_space<semaphore_mem>>)
    %dma_start3A_97 = arith.constant 50048 : i32
    %dma_start3A_98 = tpu.memref_slice %arg8[%dma_start3A_97] : memref<50176xf32, #tpu.memory_space<vmem>> -> memref<128xf32, #tpu.memory_space<vmem>>
    %dma_start3A_99 = arith.constant 0 : i32
    %dma_start3A_100 = tpu.memref_slice %arg3[%mul3A_2, %dma_start3A_99] : memref<416x128xf32, #tpu.memory_space<hbm>> -> memref<1x128xf32, #tpu.memory_space<hbm>>
    %dma_start3A_101 = tpu.memref_squeeze %dma_start3A_100 : memref<1x128xf32, #tpu.memory_space<hbm>> -> memref<128xf32, #tpu.memory_space<hbm>>
    %dma_start3A_102 = arith.constant 50048 : i32
    %dma_start3A_103 = tpu.memref_slice %arg8[%dma_start3A_102] : memref<50176xf32, #tpu.memory_space<vmem>> -> memref<128xf32, #tpu.memory_space<vmem>>
    %dma_start3A_104 = arith.constant 0 : i32
    %dma_start3A_105 = tpu.memref_slice %arg3[%mul3A_2, %dma_start3A_104] : memref<416x128xf32, #tpu.memory_space<hbm>> -> memref<1x128xf32, #tpu.memory_space<hbm>>
    %dma_start3A_106 = tpu.memref_squeeze %dma_start3A_105 : memref<1x128xf32, #tpu.memory_space<hbm>> -> memref<128xf32, #tpu.memory_space<hbm>>
    tpu.enqueue_dma source(%dma_start3A_106 : memref<128xf32, #tpu.memory_space<hbm>>) target(%dma_start3A_103 : memref<128xf32, #tpu.memory_space<vmem>>) target_semaphore(%arg13 : memref<!tpu.dma_semaphore, #tpu.memory_space<semaphore_mem>>)
    %dma_wait3A = arith.constant 0 : i32
    %dma_wait3A_107 = arith.constant 0 : i32
    %dma_wait3A_108 = tpu.memref_slice %arg9[%dma_wait3A, %dma_wait3A_107] : memref<2x4096xi32, #tpu.memory_space<vmem>> -> memref<1x4096xi32, #tpu.memory_space<vmem>>
    %dma_wait3A_109 = tpu.memref_squeeze %dma_wait3A_108 : memref<1x4096xi32, #tpu.memory_space<vmem>> -> memref<4096xi32, #tpu.memory_space<vmem>>
    %dma_wait3A_110 = arith.constant 0 : i32
    %dma_wait3A_111 = tpu.memref_slice %arg4[%select_n3A, %dma_wait3A_110] : memref<26x4096xi32, #tpu.memory_space<hbm>> -> memref<1x4096xi32, #tpu.memory_space<hbm>>
    %dma_wait3A_112 = tpu.memref_squeeze %dma_wait3A_111 : memref<1x4096xi32, #tpu.memory_space<hbm>> -> memref<4096xi32, #tpu.memory_space<hbm>>
    %dma_wait3A_113 = arith.constant 0 : i32
    %dma_wait3A_114 = tpu.memref_slice %arg9[%dma_wait3A, %dma_wait3A_113] : memref<2x4096xi32, #tpu.memory_space<vmem>> -> memref<1x4096xi32, #tpu.memory_space<vmem>>
    %dma_wait3A_115 = tpu.memref_squeeze %dma_wait3A_114 : memref<1x4096xi32, #tpu.memory_space<vmem>> -> memref<4096xi32, #tpu.memory_space<vmem>>
    %dma_wait3A_116 = arith.constant 0 : i32
    %dma_wait3A_117 = tpu.memref_slice %arg4[%select_n3A, %dma_wait3A_116] : memref<26x4096xi32, #tpu.memory_space<hbm>> -> memref<1x4096xi32, #tpu.memory_space<hbm>>
    %dma_wait3A_118 = tpu.memref_squeeze %dma_wait3A_117 : memref<1x4096xi32, #tpu.memory_space<hbm>> -> memref<4096xi32, #tpu.memory_space<hbm>>
    tpu.wait_dma2 semaphore(%arg14 : memref<!tpu.dma_semaphore, #tpu.memory_space<semaphore_mem>>) src(%dma_wait3A_118 : memref<4096xi32, #tpu.memory_space<hbm>>) dst(%dma_wait3A_115 : memref<4096xi32, #tpu.memory_space<vmem>>)
    %dma_wait3A_119 = arith.constant 1 : i32
    %dma_wait3A_120 = arith.constant 0 : i32
    %dma_wait3A_121 = tpu.memref_slice %arg9[%dma_wait3A_119, %dma_wait3A_120] : memref<2x4096xi32, #tpu.memory_space<vmem>> -> memref<1x4096xi32, #tpu.memory_space<vmem>>
    %dma_wait3A_122 = tpu.memref_squeeze %dma_wait3A_121 : memref<1x4096xi32, #tpu.memory_space<vmem>> -> memref<4096xi32, #tpu.memory_space<vmem>>
    %dma_wait3A_123 = arith.constant 0 : i32
    %dma_wait3A_124 = tpu.memref_slice %arg4[%min3A_21, %dma_wait3A_123] : memref<26x4096xi32, #tpu.memory_space<hbm>> -> memref<1x4096xi32, #tpu.memory_space<hbm>>
    %dma_wait3A_125 = tpu.memref_squeeze %dma_wait3A_124 : memref<1x4096xi32, #tpu.memory_space<hbm>> -> memref<4096xi32, #tpu.memory_space<hbm>>
    %dma_wait3A_126 = arith.constant 0 : i32
    %dma_wait3A_127 = tpu.memref_slice %arg9[%dma_wait3A_119, %dma_wait3A_126] : memref<2x4096xi32, #tpu.memory_space<vmem>> -> memref<1x4096xi32, #tpu.memory_space<vmem>>
    %dma_wait3A_128 = tpu.memref_squeeze %dma_wait3A_127 : memref<1x4096xi32, #tpu.memory_space<vmem>> -> memref<4096xi32, #tpu.memory_space<vmem>>
    %dma_wait3A_129 = arith.constant 0 : i32
    %dma_wait3A_130 = tpu.memref_slice %arg4[%min3A_21, %dma_wait3A_129] : memref<26x4096xi32, #tpu.memory_space<hbm>> -> memref<1x4096xi32, #tpu.memory_space<hbm>>
    %dma_wait3A_131 = tpu.memref_squeeze %dma_wait3A_130 : memref<1x4096xi32, #tpu.memory_space<hbm>> -> memref<4096xi32, #tpu.memory_space<hbm>>
    tpu.wait_dma2 semaphore(%arg14 : memref<!tpu.dma_semaphore, #tpu.memory_space<semaphore_mem>>) src(%dma_wait3A_131 : memref<4096xi32, #tpu.memory_space<hbm>>) dst(%dma_wait3A_128 : memref<4096xi32, #tpu.memory_space<vmem>>)
    %dma_wait3A_132 = arith.constant 0 : i32
    %dma_wait3A_133 = arith.constant 0 : i32
    %dma_wait3A_134 = tpu.memref_slice %arg10[%dma_wait3A_132, %dma_wait3A_133] : memref<2x4096xf32, #tpu.memory_space<vmem>> -> memref<1x4096xf32, #tpu.memory_space<vmem>>
    %dma_wait3A_135 = tpu.memref_squeeze %dma_wait3A_134 : memref<1x4096xf32, #tpu.memory_space<vmem>> -> memref<4096xf32, #tpu.memory_space<vmem>>
    %dma_wait3A_136 = arith.constant 0 : i32
    %dma_wait3A_137 = tpu.memref_slice %arg5[%select_n3A, %dma_wait3A_136] : memref<26x4096xf32, #tpu.memory_space<hbm>> -> memref<1x4096xf32, #tpu.memory_space<hbm>>
    %dma_wait3A_138 = tpu.memref_squeeze %dma_wait3A_137 : memref<1x4096xf32, #tpu.memory_space<hbm>> -> memref<4096xf32, #tpu.memory_space<hbm>>
    %dma_wait3A_139 = arith.constant 0 : i32
    %dma_wait3A_140 = tpu.memref_slice %arg10[%dma_wait3A_132, %dma_wait3A_139] : memref<2x4096xf32, #tpu.memory_space<vmem>> -> memref<1x4096xf32, #tpu.memory_space<vmem>>
    %dma_wait3A_141 = tpu.memref_squeeze %dma_wait3A_140 : memref<1x4096xf32, #tpu.memory_space<vmem>> -> memref<4096xf32, #tpu.memory_space<vmem>>
    %dma_wait3A_142 = arith.constant 0 : i32
    %dma_wait3A_143 = tpu.memref_slice %arg5[%select_n3A, %dma_wait3A_142] : memref<26x4096xf32, #tpu.memory_space<hbm>> -> memref<1x4096xf32, #tpu.memory_space<hbm>>
    %dma_wait3A_144 = tpu.memref_squeeze %dma_wait3A_143 : memref<1x4096xf32, #tpu.memory_space<hbm>> -> memref<4096xf32, #tpu.memory_space<hbm>>
    tpu.wait_dma2 semaphore(%arg14 : memref<!tpu.dma_semaphore, #tpu.memory_space<semaphore_mem>>) src(%dma_wait3A_144 : memref<4096xf32, #tpu.memory_space<hbm>>) dst(%dma_wait3A_141 : memref<4096xf32, #tpu.memory_space<vmem>>)
    %dma_wait3A_145 = arith.constant 1 : i32
    %dma_wait3A_146 = arith.constant 0 : i32
    %dma_wait3A_147 = tpu.memref_slice %arg10[%dma_wait3A_145, %dma_wait3A_146] : memref<2x4096xf32, #tpu.memory_space<vmem>> -> memref<1x4096xf32, #tpu.memory_space<vmem>>
    %dma_wait3A_148 = tpu.memref_squeeze %dma_wait3A_147 : memref<1x4096xf32, #tpu.memory_space<vmem>> -> memref<4096xf32, #tpu.memory_space<vmem>>
    %dma_wait3A_149 = arith.constant 0 : i32
    %dma_wait3A_150 = tpu.memref_slice %arg5[%min3A_21, %dma_wait3A_149] : memref<26x4096xf32, #tpu.memory_space<hbm>> -> memref<1x4096xf32, #tpu.memory_space<hbm>>
    %dma_wait3A_151 = tpu.memref_squeeze %dma_wait3A_150 : memref<1x4096xf32, #tpu.memory_space<hbm>> -> memref<4096xf32, #tpu.memory_space<hbm>>
    %dma_wait3A_152 = arith.constant 0 : i32
    %dma_wait3A_153 = tpu.memref_slice %arg10[%dma_wait3A_145, %dma_wait3A_152] : memref<2x4096xf32, #tpu.memory_space<vmem>> -> memref<1x4096xf32, #tpu.memory_space<vmem>>
    %dma_wait3A_154 = tpu.memref_squeeze %dma_wait3A_153 : memref<1x4096xf32, #tpu.memory_space<vmem>> -> memref<4096xf32, #tpu.memory_space<vmem>>
    %dma_wait3A_155 = arith.constant 0 : i32
    %dma_wait3A_156 = tpu.memref_slice %arg5[%min3A_21, %dma_wait3A_155] : memref<26x4096xf32, #tpu.memory_space<hbm>> -> memref<1x4096xf32, #tpu.memory_space<hbm>>
    %dma_wait3A_157 = tpu.memref_squeeze %dma_wait3A_156 : memref<1x4096xf32, #tpu.memory_space<hbm>> -> memref<4096xf32, #tpu.memory_space<hbm>>
    tpu.wait_dma2 semaphore(%arg14 : memref<!tpu.dma_semaphore, #tpu.memory_space<semaphore_mem>>) src(%dma_wait3A_157 : memref<4096xf32, #tpu.memory_space<hbm>>) dst(%dma_wait3A_154 : memref<4096xf32, #tpu.memory_space<vmem>>)
    %scan3A = arith.constant 0 : i32
    %scan3A_158 = arith.constant 0 : i32
    %scan3A_159 = arith.constant 13 : i32
    %scan3A_160 = arith.addi %scan3A_158, %scan3A_159 : i32
    %scan3A_161 = arith.constant 1 : i32
    scf.for %scan3A_189 = %scan3A_158 to %scan3A_160 step %scan3A_161  : i32 {
      %add3A_190 = arith.addi %mul3A_2, %scan3A_189 : i32
      %jit3A_191 = arith.constant 16 : i32
      %div3A_192 = arith.divsi %add3A_190, %jit3A_191 : i32
      %sign3A_193 = arith.constant 0 : i32
      %sign3A_194 = arith.cmpi sgt, %add3A_190, %sign3A_193 : i32
      %sign3A_195 = arith.extui %sign3A_194 : i1 to i32
      %sign3A_196 = arith.constant 0 : i32
      %sign3A_197 = arith.cmpi slt, %add3A_190, %sign3A_196 : i32
      %sign3A_198 = arith.extui %sign3A_197 : i1 to i32
      %sign3A_199 = arith.subi %sign3A_195, %sign3A_198 : i32
      %sign3A_200 = arith.constant 0 : i32
      %sign3A_201 = arith.cmpi sgt, %jit3A_191, %sign3A_200 : i32
      %sign3A_202 = arith.extui %sign3A_201 : i1 to i32
      %sign3A_203 = arith.constant 0 : i32
      %sign3A_204 = arith.cmpi slt, %jit3A_191, %sign3A_203 : i32
      %sign3A_205 = arith.extui %sign3A_204 : i1 to i32
      %sign3A_206 = arith.subi %sign3A_202, %sign3A_205 : i32
      %ne3A_207 = arith.cmpi ne, %sign3A_199, %sign3A_206 : i32
      %rem3A_208 = arith.remsi %add3A_190, %jit3A_191 : i32
      %ne3A_209 = arith.constant 0 : i32
      %ne3A_210 = arith.cmpi ne, %rem3A_208, %ne3A_209 : i32
      %and3A_211 = arith.andi %ne3A_207, %ne3A_210 : i1
      %sub3A_212 = arith.constant 1 : i32
      %sub3A_213 = arith.subi %div3A_192, %sub3A_212 : i32
      %select_n3A_214 = arith.select %and3A_211, %sub3A_213, %div3A_192 : i32
      %sub3A_215 = arith.subi %select_n3A_214, %select_n3A : i32
      %jit3A_216 = arith.constant 2 : i32
      %eq3A = arith.constant 0 : i32
      %eq3A_217 = arith.cmpi eq, %jit3A_216, %eq3A : i32
      %jit3A_218 = arith.constant 1 : i32
      %select_n3A_219 = arith.select %eq3A_217, %jit3A_218, %jit3A_216 : i32
      %rem3A_220 = arith.remsi %scan3A_189, %select_n3A_219 : i32
      %ne3A_221 = arith.constant 0 : i32
      %ne3A_222 = arith.cmpi ne, %rem3A_220, %ne3A_221 : i32
      %lt3A = arith.constant 0 : i32
      %lt3A_223 = arith.cmpi slt, %rem3A_220, %lt3A : i32
      %lt3A_224 = arith.constant 0 : i32
      %lt3A_225 = arith.cmpi slt, %select_n3A_219, %lt3A_224 : i32
      %ne3A_226 = arith.xori %lt3A_223, %lt3A_225 : i1
      %and3A_227 = arith.andi %ne3A_226, %ne3A_222 : i1
      %add3A_228 = arith.addi %rem3A_220, %select_n3A_219 : i32
      %select_n3A_229 = arith.select %and3A_227, %add3A_228, %rem3A_220 : i32
      %ge3A = arith.constant 2 : i32
      %ge3A_230 = arith.cmpi sge, %scan3A_189, %ge3A : i32
      %convert_element_type3A = arith.extui %ge3A_230 : i1 to i32
      %cond3A = arith.constant 0 : i32
      %cond3A_231 = arith.cmpi ne, %convert_element_type3A, %cond3A : i32
      scf.if %cond3A_231 {
        %dma_wait3A_297 = arith.constant 0 : i32
        %dma_wait3A_298 = arith.constant 0 : i32
        %dma_wait3A_299 = tpu.memref_slice %arg11[%dma_wait3A_297, %dma_wait3A_298] : memref<2x4096xf32, #tpu.memory_space<vmem>> -> memref<1x4096xf32, #tpu.memory_space<vmem>>
        %dma_wait3A_300 = tpu.memref_squeeze %dma_wait3A_299 : memref<1x4096xf32, #tpu.memory_space<vmem>> -> memref<4096xf32, #tpu.memory_space<vmem>>
        %dma_wait3A_301 = arith.constant 0 : i32
        %dma_wait3A_302 = tpu.memref_slice %arg6[%add3A_190, %dma_wait3A_301] : memref<416x4096xf32, #tpu.memory_space<hbm>> -> memref<1x4096xf32, #tpu.memory_space<hbm>>
        %dma_wait3A_303 = tpu.memref_squeeze %dma_wait3A_302 : memref<1x4096xf32, #tpu.memory_space<hbm>> -> memref<4096xf32, #tpu.memory_space<hbm>>
        %dma_wait3A_304 = arith.constant 0 : i32
        %dma_wait3A_305 = tpu.memref_slice %arg6[%add3A_190, %dma_wait3A_304] : memref<416x4096xf32, #tpu.memory_space<hbm>> -> memref<1x4096xf32, #tpu.memory_space<hbm>>
        %dma_wait3A_306 = tpu.memref_squeeze %dma_wait3A_305 : memref<1x4096xf32, #tpu.memory_space<hbm>> -> memref<4096xf32, #tpu.memory_space<hbm>>
        %dma_wait3A_307 = arith.constant 0 : i32
        %dma_wait3A_308 = tpu.memref_slice %arg11[%dma_wait3A_297, %dma_wait3A_307] : memref<2x4096xf32, #tpu.memory_space<vmem>> -> memref<1x4096xf32, #tpu.memory_space<vmem>>
        %dma_wait3A_309 = tpu.memref_squeeze %dma_wait3A_308 : memref<1x4096xf32, #tpu.memory_space<vmem>> -> memref<4096xf32, #tpu.memory_space<vmem>>
        tpu.wait_dma2 semaphore(%arg14 : memref<!tpu.dma_semaphore, #tpu.memory_space<semaphore_mem>>) src(%dma_wait3A_309 : memref<4096xf32, #tpu.memory_space<vmem>>) dst(%dma_wait3A_306 : memref<4096xf32, #tpu.memory_space<hbm>>)
      } else {
      }
      %dma_wait3A_232 = arith.constant 0 : i32
      %dma_wait3A_233 = tpu.memref_slice %arg2[%add3A_190, %dma_wait3A_232] : memref<416x100000xf32, #tpu.memory_space<hbm>> -> memref<1x100000xf32, #tpu.memory_space<hbm>>
      %dma_wait3A_234 = tpu.memref_squeeze %dma_wait3A_233 : memref<1x100000xf32, #tpu.memory_space<hbm>> -> memref<100000xf32, #tpu.memory_space<hbm>>
      %dma_wait3A_235 = arith.constant 0 : i32
      %dma_wait3A_236 = tpu.memref_slice %dma_wait3A_234[%dma_wait3A_235] : memref<100000xf32, #tpu.memory_space<hbm>> -> memref<49920xf32, #tpu.memory_space<hbm>>
      %dma_wait3A_237 = arith.constant 0 : i32
      %dma_wait3A_238 = tpu.memref_slice %arg2[%add3A_190, %dma_wait3A_237] : memref<416x100000xf32, #tpu.memory_space<hbm>> -> memref<1x100000xf32, #tpu.memory_space<hbm>>
      %dma_wait3A_239 = tpu.memref_squeeze %dma_wait3A_238 : memref<1x100000xf32, #tpu.memory_space<hbm>> -> memref<100000xf32, #tpu.memory_space<hbm>>
      %dma_wait3A_240 = arith.constant 0 : i32
      %dma_wait3A_241 = tpu.memref_slice %dma_wait3A_239[%dma_wait3A_240] : memref<100000xf32, #tpu.memory_space<hbm>> -> memref<49920xf32, #tpu.memory_space<hbm>>
      tpu.wait_dma2 semaphore(%arg12 : memref<!tpu.dma_semaphore, #tpu.memory_space<semaphore_mem>>) src(%dma_wait3A_241 : memref<49920xf32, #tpu.memory_space<hbm>>) dst(%arg7 : memref<49920xf32, #tpu.memory_space<vmem>>)
      %parallel_loop3A = arith.constant 0 : i32
      %parallel_loop3A_242 = arith.constant 256 : i32
      %parallel_loop3A_243 = arith.constant 1 : i32
      scf.for %parallel_loop3A_297 = %parallel_loop3A to %parallel_loop3A_242 step %parallel_loop3A_243  : i32 {
        %parallel_loop3A_298 = arith.constant 16 : i32
        %parallel_loop3A_299 = arith.muli %parallel_loop3A_297, %parallel_loop3A_298 : i32
        %parallel_loop3A_300 = tpu.assume_multiple %parallel_loop3A_299, 16 : i32
        %parallel_loop3A_301 = arith.index_cast %sub3A_215 : i32 to index
        %parallel_loop3A_302 = arith.index_cast %parallel_loop3A_300 : i32 to index
        %parallel_loop3A_303 = tpu.vector_load %arg9[%parallel_loop3A_301, %parallel_loop3A_302] {strides = array<i32>} : memref<2x4096xi32, #tpu.memory_space<vmem>>, vector<16xi32>,
        %parallel_loop3A_304 = arith.constant 49920 : i32
        %parallel_loop3A_305 = vector.broadcast %parallel_loop3A_304 : i32 to vector<16xi32>
        %parallel_loop3A_306 = arith.cmpi slt, %parallel_loop3A_303, %parallel_loop3A_305 : vector<16xi32>
        %parallel_loop3A_307 = arith.constant 0 : i32
        %parallel_loop3A_308 = vector.broadcast %parallel_loop3A_307 : i32 to vector<16xi32>
        %parallel_loop3A_309 = arith.select %parallel_loop3A_306, %parallel_loop3A_303, %parallel_loop3A_308 : vector<16xi1>, vector<16xi32>
        %parallel_loop3A_310 = tpu.vector_load_idx %arg7[%parallel_loop3A_309] : memref<49920xf32, #tpu.memory_space<vmem>>[vector<16xi32>], vector<16xf32>,
        %parallel_loop3A_311 = arith.index_cast %sub3A_215 : i32 to index
        %parallel_loop3A_312 = arith.index_cast %parallel_loop3A_300 : i32 to index
        %parallel_loop3A_313 = tpu.vector_load %arg10[%parallel_loop3A_311, %parallel_loop3A_312] {strides = array<i32>} : memref<2x4096xf32, #tpu.memory_space<vmem>>, vector<16xf32>,
        %parallel_loop3A_314 = arith.mulf %parallel_loop3A_310, %parallel_loop3A_313 : vector<16xf32>
        %parallel_loop3A_315 = arith.index_cast %select_n3A_229 : i32 to index
        %parallel_loop3A_316 = arith.index_cast %parallel_loop3A_300 : i32 to index
        %parallel_loop3A_317 = tpu.vector_load %arg11[%parallel_loop3A_315, %parallel_loop3A_316] {strides = array<i32>} : memref<2x4096xf32, #tpu.memory_space<vmem>>, vector<16xf32>,
        tpu.vector_store %arg11[%parallel_loop3A_315, %parallel_loop3A_316], %parallel_loop3A_314 {strides = array<i32>} : memref<2x4096xf32, #tpu.memory_space<vmem>>, vector<16xf32>,
      } {sc.loop_unroll_factor = 8 : i64, sc.parallel_access}
      %add3A_244 = arith.constant 1 : i32
      %add3A_245 = arith.addi %scan3A_189, %add3A_244 : i32
      %lt3A_246 = arith.constant 13 : i32
      %lt3A_247 = arith.cmpi slt, %add3A_245, %lt3A_246 : i32
      %convert_element_type3A_248 = arith.extui %lt3A_247 : i1 to i32
      %cond3A_249 = arith.constant 0 : i32
      %cond3A_250 = arith.cmpi ne, %convert_element_type3A_248, %cond3A_249 : i32
      scf.if %cond3A_250 {
        %add3A_297 = arith.constant 1 : i32
        %add3A_298 = arith.addi %add3A_190, %add3A_297 : i32
        %dma_start3A_299 = arith.constant 0 : i32
        %dma_start3A_300 = tpu.memref_slice %arg2[%add3A_298, %dma_start3A_299] : memref<416x100000xf32, #tpu.memory_space<hbm>> -> memref<1x100000xf32, #tpu.memory_space<hbm>>
        %dma_start3A_301 = tpu.memref_squeeze %dma_start3A_300 : memref<1x100000xf32, #tpu.memory_space<hbm>> -> memref<100000xf32, #tpu.memory_space<hbm>>
        %dma_start3A_302 = arith.constant 0 : i32
        %dma_start3A_303 = tpu.memref_slice %dma_start3A_301[%dma_start3A_302] : memref<100000xf32, #tpu.memory_space<hbm>> -> memref<49920xf32, #tpu.memory_space<hbm>>
        %dma_start3A_304 = arith.constant 0 : i32
        %dma_start3A_305 = tpu.memref_slice %arg2[%add3A_298, %dma_start3A_304] : memref<416x100000xf32, #tpu.memory_space<hbm>> -> memref<1x100000xf32, #tpu.memory_space<hbm>>
        %dma_start3A_306 = tpu.memref_squeeze %dma_start3A_305 : memref<1x100000xf32, #tpu.memory_space<hbm>> -> memref<100000xf32, #tpu.memory_space<hbm>>
        %dma_start3A_307 = arith.constant 0 : i32
        %dma_start3A_308 = tpu.memref_slice %dma_start3A_306[%dma_start3A_307] : memref<100000xf32, #tpu.memory_space<hbm>> -> memref<49920xf32, #tpu.memory_space<hbm>>
        tpu.enqueue_dma source(%dma_start3A_308 : memref<49920xf32, #tpu.memory_space<hbm>>) target(%arg7 : memref<49920xf32, #tpu.memory_space<vmem>>) target_semaphore(%arg12 : memref<!tpu.dma_semaphore, #tpu.memory_space<semaphore_mem>>)
      } else {
      }
      %dma_wait3A_251 = arith.constant 0 : i32
      %dma_wait3A_252 = tpu.memref_slice %arg8[%dma_wait3A_251] : memref<50176xf32, #tpu.memory_space<vmem>> -> memref<50048xf32, #tpu.memory_space<vmem>>
      %dma_wait3A_253 = arith.constant 0 : i32
      %dma_wait3A_254 = tpu.memref_slice %arg2[%add3A_190, %dma_wait3A_253] : memref<416x100000xf32, #tpu.memory_space<hbm>> -> memref<1x100000xf32, #tpu.memory_space<hbm>>
      %dma_wait3A_255 = tpu.memref_squeeze %dma_wait3A_254 : memref<1x100000xf32, #tpu.memory_space<hbm>> -> memref<100000xf32, #tpu.memory_space<hbm>>
      %dma_wait3A_256 = arith.constant 49920 : i32
      %dma_wait3A_257 = tpu.memref_slice %dma_wait3A_255[%dma_wait3A_256] : memref<100000xf32, #tpu.memory_space<hbm>> -> memref<50048xf32, #tpu.memory_space<hbm>>
      %dma_wait3A_258 = arith.constant 0 : i32
      %dma_wait3A_259 = tpu.memref_slice %arg8[%dma_wait3A_258] : memref<50176xf32, #tpu.memory_space<vmem>> -> memref<50048xf32, #tpu.memory_space<vmem>>
      %dma_wait3A_260 = arith.constant 0 : i32
      %dma_wait3A_261 = tpu.memref_slice %arg2[%add3A_190, %dma_wait3A_260] : memref<416x100000xf32, #tpu.memory_space<hbm>> -> memref<1x100000xf32, #tpu.memory_space<hbm>>
      %dma_wait3A_262 = tpu.memref_squeeze %dma_wait3A_261 : memref<1x100000xf32, #tpu.memory_space<hbm>> -> memref<100000xf32, #tpu.memory_space<hbm>>
      %dma_wait3A_263 = arith.constant 49920 : i32
      %dma_wait3A_264 = tpu.memref_slice %dma_wait3A_262[%dma_wait3A_263] : memref<100000xf32, #tpu.memory_space<hbm>> -> memref<50048xf32, #tpu.memory_space<hbm>>
      tpu.wait_dma2 semaphore(%arg13 : memref<!tpu.dma_semaphore, #tpu.memory_space<semaphore_mem>>) src(%dma_wait3A_264 : memref<50048xf32, #tpu.memory_space<hbm>>) dst(%dma_wait3A_259 : memref<50048xf32, #tpu.memory_space<vmem>>)
      %dma_wait3A_265 = arith.constant 50048 : i32
      %dma_wait3A_266 = tpu.memref_slice %arg8[%dma_wait3A_265] : memref<50176xf32, #tpu.memory_space<vmem>> -> memref<128xf32, #tpu.memory_space<vmem>>
      %dma_wait3A_267 = arith.constant 0 : i32
      %dma_wait3A_268 = tpu.memref_slice %arg3[%add3A_190, %dma_wait3A_267] : memref<416x128xf32, #tpu.memory_space<hbm>> -> memref<1x128xf32, #tpu.memory_space<hbm>>
      %dma_wait3A_269 = tpu.memref_squeeze %dma_wait3A_268 : memref<1x128xf32, #tpu.memory_space<hbm>> -> memref<128xf32, #tpu.memory_space<hbm>>
      %dma_wait3A_270 = arith.constant 50048 : i32
      %dma_wait3A_271 = tpu.memref_slice %arg8[%dma_wait3A_270] : memref<50176xf32, #tpu.memory_space<vmem>> -> memref<128xf32, #tpu.memory_space<vmem>>
      %dma_wait3A_272 = arith.constant 0 : i32
      %dma_wait3A_273 = tpu.memref_slice %arg3[%add3A_190, %dma_wait3A_272] : memref<416x128xf32, #tpu.memory_space<hbm>> -> memref<1x128xf32, #tpu.memory_space<hbm>>
      %dma_wait3A_274 = tpu.memref_squeeze %dma_wait3A_273 : memref<1x128xf32, #tpu.memory_space<hbm>> -> memref<128xf32, #tpu.memory_space<hbm>>
      tpu.wait_dma2 semaphore(%arg13 : memref<!tpu.dma_semaphore, #tpu.memory_space<semaphore_mem>>) src(%dma_wait3A_274 : memref<128xf32, #tpu.memory_space<hbm>>) dst(%dma_wait3A_271 : memref<128xf32, #tpu.memory_space<vmem>>)
      %parallel_loop3A_275 = arith.constant 0 : i32
      %parallel_loop3A_276 = arith.constant 256 : i32
      %parallel_loop3A_277 = arith.constant 1 : i32
      scf.for %parallel_loop3A_297 = %parallel_loop3A_275 to %parallel_loop3A_276 step %parallel_loop3A_277  : i32 {
        %parallel_loop3A_298 = arith.constant 16 : i32
        %parallel_loop3A_299 = arith.muli %parallel_loop3A_297, %parallel_loop3A_298 : i32
        %parallel_loop3A_300 = tpu.assume_multiple %parallel_loop3A_299, 16 : i32
        %parallel_loop3A_301 = arith.index_cast %sub3A_215 : i32 to index
        %parallel_loop3A_302 = arith.index_cast %parallel_loop3A_300 : i32 to index
        %parallel_loop3A_303 = tpu.vector_load %arg9[%parallel_loop3A_301, %parallel_loop3A_302] {strides = array<i32>} : memref<2x4096xi32, #tpu.memory_space<vmem>>, vector<16xi32>,
        %parallel_loop3A_304 = arith.constant 49920 : i32
        %parallel_loop3A_305 = vector.broadcast %parallel_loop3A_304 : i32 to vector<16xi32>
        %parallel_loop3A_306 = arith.subi %parallel_loop3A_303, %parallel_loop3A_305 : vector<16xi32>
        %parallel_loop3A_307 = arith.constant 49920 : i32
        %parallel_loop3A_308 = vector.broadcast %parallel_loop3A_307 : i32 to vector<16xi32>
        %parallel_loop3A_309 = arith.cmpi sge, %parallel_loop3A_303, %parallel_loop3A_308 : vector<16xi32>
        %parallel_loop3A_310 = arith.constant 0 : i32
        %parallel_loop3A_311 = vector.broadcast %parallel_loop3A_310 : i32 to vector<16xi32>
        %parallel_loop3A_312 = arith.select %parallel_loop3A_309, %parallel_loop3A_306, %parallel_loop3A_311 : vector<16xi1>, vector<16xi32>
        %parallel_loop3A_313 = tpu.vector_load_idx %arg8[%parallel_loop3A_312] : memref<50176xf32, #tpu.memory_space<vmem>>[vector<16xi32>], vector<16xf32>,
        %parallel_loop3A_314 = arith.index_cast %select_n3A_229 : i32 to index
        %parallel_loop3A_315 = arith.index_cast %parallel_loop3A_300 : i32 to index
        %parallel_loop3A_316 = tpu.vector_load %arg11[%parallel_loop3A_314, %parallel_loop3A_315] {strides = array<i32>} : memref<2x4096xf32, #tpu.memory_space<vmem>>, vector<16xf32>,
        %parallel_loop3A_317 = arith.index_cast %sub3A_215 : i32 to index
        %parallel_loop3A_318 = arith.index_cast %parallel_loop3A_300 : i32 to index
        %parallel_loop3A_319 = tpu.vector_load %arg10[%parallel_loop3A_317, %parallel_loop3A_318] {strides = array<i32>} : memref<2x4096xf32, #tpu.memory_space<vmem>>, vector<16xf32>,
        %parallel_loop3A_320 = arith.mulf %parallel_loop3A_313, %parallel_loop3A_319 : vector<16xf32>
        %parallel_loop3A_321 = arith.select %parallel_loop3A_309, %parallel_loop3A_320, %parallel_loop3A_316 : vector<16xi1>, vector<16xf32>
        %parallel_loop3A_322 = arith.index_cast %select_n3A_229 : i32 to index
        %parallel_loop3A_323 = arith.index_cast %parallel_loop3A_300 : i32 to index
        %parallel_loop3A_324 = tpu.vector_load %arg11[%parallel_loop3A_322, %parallel_loop3A_323] {strides = array<i32>} : memref<2x4096xf32, #tpu.memory_space<vmem>>, vector<16xf32>,
        tpu.vector_store %arg11[%parallel_loop3A_322, %parallel_loop3A_323], %parallel_loop3A_321 {strides = array<i32>} : memref<2x4096xf32, #tpu.memory_space<vmem>>, vector<16xf32>,
      } {sc.loop_unroll_factor = 8 : i64, sc.parallel_access}
      %add3A_278 = arith.constant 1 : i32
      %add3A_279 = arith.addi %scan3A_189, %add3A_278 : i32
      %lt3A_280 = arith.constant 13 : i32
      %lt3A_281 = arith.cmpi slt, %add3A_279, %lt3A_280 : i32
      %convert_element_type3A_282 = arith.extui %lt3A_281 : i1 to i32
      %cond3A_283 = arith.constant 0 : i32
      %cond3A_284 = arith.cmpi ne, %convert_element_type3A_282, %cond3A_283 : i32
      scf.if %cond3A_284 {
        %add3A_297 = arith.constant 1 : i32
        %add3A_298 = arith.addi %add3A_190, %add3A_297 : i32
        %dma_start3A_299 = arith.constant 0 : i32
        %dma_start3A_300 = tpu.memref_slice %arg8[%dma_start3A_299] : memref<50176xf32, #tpu.memory_space<vmem>> -> memref<50048xf32, #tpu.memory_space<vmem>>
        %dma_start3A_301 = arith.constant 0 : i32
        %dma_start3A_302 = tpu.memref_slice %arg2[%add3A_298, %dma_start3A_301] : memref<416x100000xf32, #tpu.memory_space<hbm>> -> memref<1x100000xf32, #tpu.memory_space<hbm>>
        %dma_start3A_303 = tpu.memref_squeeze %dma_start3A_302 : memref<1x100000xf32, #tpu.memory_space<hbm>> -> memref<100000xf32, #tpu.memory_space<hbm>>
        %dma_start3A_304 = arith.constant 49920 : i32
        %dma_start3A_305 = tpu.memref_slice %dma_start3A_303[%dma_start3A_304] : memref<100000xf32, #tpu.memory_space<hbm>> -> memref<50048xf32, #tpu.memory_space<hbm>>
        %dma_start3A_306 = arith.constant 0 : i32
        %dma_start3A_307 = tpu.memref_slice %arg8[%dma_start3A_306] : memref<50176xf32, #tpu.memory_space<vmem>> -> memref<50048xf32, #tpu.memory_space<vmem>>
        %dma_start3A_308 = arith.constant 0 : i32
        %dma_start3A_309 = tpu.memref_slice %arg2[%add3A_298, %dma_start3A_308] : memref<416x100000xf32, #tpu.memory_space<hbm>> -> memref<1x100000xf32, #tpu.memory_space<hbm>>
        %dma_start3A_310 = tpu.memref_squeeze %dma_start3A_309 : memref<1x100000xf32, #tpu.memory_space<hbm>> -> memref<100000xf32, #tpu.memory_space<hbm>>
        %dma_start3A_311 = arith.constant 49920 : i32
        %dma_start3A_312 = tpu.memref_slice %dma_start3A_310[%dma_start3A_311] : memref<100000xf32, #tpu.memory_space<hbm>> -> memref<50048xf32, #tpu.memory_space<hbm>>
        tpu.enqueue_dma source(%dma_start3A_312 : memref<50048xf32, #tpu.memory_space<hbm>>) target(%dma_start3A_307 : memref<50048xf32, #tpu.memory_space<vmem>>) target_semaphore(%arg13 : memref<!tpu.dma_semaphore, #tpu.memory_space<semaphore_mem>>)
        %add3A_313 = arith.constant 1 : i32
        %add3A_314 = arith.addi %add3A_190, %add3A_313 : i32
        %dma_start3A_315 = arith.constant 50048 : i32
        %dma_start3A_316 = tpu.memref_slice %arg8[%dma_start3A_315] : memref<50176xf32, #tpu.memory_space<vmem>> -> memref<128xf32, #tpu.memory_space<vmem>>
        %dma_start3A_317 = arith.constant 0 : i32
        %dma_start3A_318 = tpu.memref_slice %arg3[%add3A_314, %dma_start3A_317] : memref<416x128xf32, #tpu.memory_space<hbm>> -> memref<1x128xf32, #tpu.memory_space<hbm>>
        %dma_start3A_319 = tpu.memref_squeeze %dma_start3A_318 : memref<1x128xf32, #tpu.memory_space<hbm>> -> memref<128xf32, #tpu.memory_space<hbm>>
        %dma_start3A_320 = arith.constant 50048 : i32
        %dma_start3A_321 = tpu.memref_slice %arg8[%dma_start3A_320] : memref<50176xf32, #tpu.memory_space<vmem>> -> memref<128xf32, #tpu.memory_space<vmem>>
        %dma_start3A_322 = arith.constant 0 : i32
        %dma_start3A_323 = tpu.memref_slice %arg3[%add3A_314, %dma_start3A_322] : memref<416x128xf32, #tpu.memory_space<hbm>> -> memref<1x128xf32, #tpu.memory_space<hbm>>
        %dma_start3A_324 = tpu.memref_squeeze %dma_start3A_323 : memref<1x128xf32, #tpu.memory_space<hbm>> -> memref<128xf32, #tpu.memory_space<hbm>>
        tpu.enqueue_dma source(%dma_start3A_324 : memref<128xf32, #tpu.memory_space<hbm>>) target(%dma_start3A_321 : memref<128xf32, #tpu.memory_space<vmem>>) target_semaphore(%arg13 : memref<!tpu.dma_semaphore, #tpu.memory_space<semaphore_mem>>)
      } else {
      }
      %dma_start3A_285 = arith.constant 0 : i32
      %dma_start3A_286 = tpu.memref_slice %arg11[%select_n3A_229, %dma_start3A_285] : memref<2x4096xf32, #tpu.memory_space<vmem>> -> memref<1x4096xf32, #tpu.memory_space<vmem>>
      %dma_start3A_287 = tpu.memref_squeeze %dma_start3A_286 : memref<1x4096xf32, #tpu.memory_space<vmem>> -> memref<4096xf32, #tpu.memory_space<vmem>>
      %dma_start3A_288 = arith.constant 0 : i32
      %dma_start3A_289 = tpu.memref_slice %arg6[%add3A_190, %dma_start3A_288] : memref<416x4096xf32, #tpu.memory_space<hbm>> -> memref<1x4096xf32, #tpu.memory_space<hbm>>
      %dma_start3A_290 = tpu.memref_squeeze %dma_start3A_289 : memref<1x4096xf32, #tpu.memory_space<hbm>> -> memref<4096xf32, #tpu.memory_space<hbm>>
      %dma_start3A_291 = arith.constant 0 : i32
      %dma_start3A_292 = tpu.memref_slice %arg6[%add3A_190, %dma_start3A_291] : memref<416x4096xf32, #tpu.memory_space<hbm>> -> memref<1x4096xf32, #tpu.memory_space<hbm>>
      %dma_start3A_293 = tpu.memref_squeeze %dma_start3A_292 : memref<1x4096xf32, #tpu.memory_space<hbm>> -> memref<4096xf32, #tpu.memory_space<hbm>>
      %dma_start3A_294 = arith.constant 0 : i32
      %dma_start3A_295 = tpu.memref_slice %arg11[%select_n3A_229, %dma_start3A_294] : memref<2x4096xf32, #tpu.memory_space<vmem>> -> memref<1x4096xf32, #tpu.memory_space<vmem>>
      %dma_start3A_296 = tpu.memref_squeeze %dma_start3A_295 : memref<1x4096xf32, #tpu.memory_space<vmem>> -> memref<4096xf32, #tpu.memory_space<vmem>>
      tpu.enqueue_dma source(%dma_start3A_296 : memref<4096xf32, #tpu.memory_space<vmem>>) target(%dma_start3A_293 : memref<4096xf32, #tpu.memory_space<hbm>>) target_semaphore(%arg14 : memref<!tpu.dma_semaphore, #tpu.memory_space<semaphore_mem>>)
    }
    %scan3A_162 = arith.constant 13 : i32
    %dma_wait3A_163 = arith.constant 0 : i32
    %dma_wait3A_164 = arith.constant 0 : i32
    %dma_wait3A_165 = tpu.memref_slice %arg11[%dma_wait3A_163, %dma_wait3A_164] : memref<2x4096xf32, #tpu.memory_space<vmem>> -> memref<1x4096xf32, #tpu.memory_space<vmem>>
    %dma_wait3A_166 = tpu.memref_squeeze %dma_wait3A_165 : memref<1x4096xf32, #tpu.memory_space<vmem>> -> memref<4096xf32, #tpu.memory_space<vmem>>
    %dma_wait3A_167 = arith.constant 0 : i32
    %dma_wait3A_168 = tpu.memref_slice %arg6[%mul3A_2, %dma_wait3A_167] : memref<416x4096xf32, #tpu.memory_space<hbm>> -> memref<1x4096xf32, #tpu.memory_space<hbm>>
    %dma_wait3A_169 = tpu.memref_squeeze %dma_wait3A_168 : memref<1x4096xf32, #tpu.memory_space<hbm>> -> memref<4096xf32, #tpu.memory_space<hbm>>
    %dma_wait3A_170 = arith.constant 0 : i32
    %dma_wait3A_171 = tpu.memref_slice %arg6[%mul3A_2, %dma_wait3A_170] : memref<416x4096xf32, #tpu.memory_space<hbm>> -> memref<1x4096xf32, #tpu.memory_space<hbm>>
    %dma_wait3A_172 = tpu.memref_squeeze %dma_wait3A_171 : memref<1x4096xf32, #tpu.memory_space<hbm>> -> memref<4096xf32, #tpu.memory_space<hbm>>
    %dma_wait3A_173 = arith.constant 0 : i32
    %dma_wait3A_174 = tpu.memref_slice %arg11[%dma_wait3A_163, %dma_wait3A_173] : memref<2x4096xf32, #tpu.memory_space<vmem>> -> memref<1x4096xf32, #tpu.memory_space<vmem>>
    %dma_wait3A_175 = tpu.memref_squeeze %dma_wait3A_174 : memref<1x4096xf32, #tpu.memory_space<vmem>> -> memref<4096xf32, #tpu.memory_space<vmem>>
    tpu.wait_dma2 semaphore(%arg14 : memref<!tpu.dma_semaphore, #tpu.memory_space<semaphore_mem>>) src(%dma_wait3A_175 : memref<4096xf32, #tpu.memory_space<vmem>>) dst(%dma_wait3A_172 : memref<4096xf32, #tpu.memory_space<hbm>>)
    %dma_wait3A_176 = arith.constant 1 : i32
    %dma_wait3A_177 = arith.constant 0 : i32
    %dma_wait3A_178 = tpu.memref_slice %arg11[%dma_wait3A_176, %dma_wait3A_177] : memref<2x4096xf32, #tpu.memory_space<vmem>> -> memref<1x4096xf32, #tpu.memory_space<vmem>>
    %dma_wait3A_179 = tpu.memref_squeeze %dma_wait3A_178 : memref<1x4096xf32, #tpu.memory_space<vmem>> -> memref<4096xf32, #tpu.memory_space<vmem>>
    %dma_wait3A_180 = arith.constant 0 : i32
    %dma_wait3A_181 = tpu.memref_slice %arg6[%mul3A_2, %dma_wait3A_180] : memref<416x4096xf32, #tpu.memory_space<hbm>> -> memref<1x4096xf32, #tpu.memory_space<hbm>>
    %dma_wait3A_182 = tpu.memref_squeeze %dma_wait3A_181 : memref<1x4096xf32, #tpu.memory_space<hbm>> -> memref<4096xf32, #tpu.memory_space<hbm>>
    %dma_wait3A_183 = arith.constant 0 : i32
    %dma_wait3A_184 = tpu.memref_slice %arg6[%mul3A_2, %dma_wait3A_183] : memref<416x4096xf32, #tpu.memory_space<hbm>> -> memref<1x4096xf32, #tpu.memory_space<hbm>>
    %dma_wait3A_185 = tpu.memref_squeeze %dma_wait3A_184 : memref<1x4096xf32, #tpu.memory_space<hbm>> -> memref<4096xf32, #tpu.memory_space<hbm>>
    %dma_wait3A_186 = arith.constant 0 : i32
    %dma_wait3A_187 = tpu.memref_slice %arg11[%dma_wait3A_176, %dma_wait3A_186] : memref<2x4096xf32, #tpu.memory_space<vmem>> -> memref<1x4096xf32, #tpu.memory_space<vmem>>
    %dma_wait3A_188 = tpu.memref_squeeze %dma_wait3A_187 : memref<1x4096xf32, #tpu.memory_space<vmem>> -> memref<4096xf32, #tpu.memory_space<vmem>>
    tpu.wait_dma2 semaphore(%arg14 : memref<!tpu.dma_semaphore, #tpu.memory_space<semaphore_mem>>) src(%dma_wait3A_188 : memref<4096xf32, #tpu.memory_space<vmem>>) dst(%dma_wait3A_185 : memref<4096xf32, #tpu.memory_space<hbm>>)
    return
  }
}

module attributes {stable_mosaic.version = 14 : i64} {
  func.func @_dense_body(%arg0: i32, %arg1: memref<416x2048xf32, #tpu.memory_space<vmem>>, %arg2: memref<416x416xf32, #tpu.memory_space<vmem>>, %arg3: memref<416x1xf32, #tpu.memory_space<vmem>>, %arg4: memref<1x1xf32, #tpu.memory_space<smem>>, %arg5: memref<2048xf32, #tpu.memory_space<vmem>>) attributes {dimension_semantics = [#tpu.dimension_semantics<arbitrary>], iteration_bounds = array<i64: 2>, scalar_prefetch = 0 : i64, scratch_operands = 0 : i64, tpu.core_type = #tpu.core_type<tc>, window_params = [{transform_indices = @transform_0, window_bounds = array<i64: 416, 2048>}, {pipeline_mode = #tpu.pipeline_mode<synchronous>, transform_indices = @transform_1, window_bounds = array<i64: 416, 416>}, {pipeline_mode = #tpu.pipeline_mode<synchronous>, transform_indices = @transform_2, window_bounds = array<i64: 416, 1>}, {transform_indices = @transform_3, window_bounds = array<i64: 1, 1>}, {transform_indices = @transform_4, window_bounds = array<i64: 2048>}]} {
    %get3A = arith.constant 0 : index
    %get3A_0 = arith.constant 0 : index
    %get3A_1 = vector.load %arg1[%get3A, %get3A_0] : memref<416x2048xf32, #tpu.memory_space<vmem>>, vector<416x2048xf32>
    %get3A_2 = arith.constant 0 : index
    %get3A_3 = arith.constant 0 : index
    %get3A_4 = vector.load %arg2[%get3A_2, %get3A_3] : memref<416x416xf32, #tpu.memory_space<vmem>>, vector<416x416xf32>
    %dot_general3A = arith.constant dense<0.000000e+00> : vector<416x2048xf32>
    %dot_general3A_5 = tpu.matmul %get3A_4, %get3A_1, %dot_general3A {dimension_numbers = #tpu.dot_dimension_numbers<[1], [0], [0], [1], [0, 0, 1, 1], [], []>, transpose_lhs_hint = false} : vector<416x416xf32>, vector<416x2048xf32>, vector<416x2048xf32> -> vector<416x2048xf32>
    %get3A_6 = arith.constant 0 : index
    %get3A_7 = arith.constant 0 : index
    %get3A_8 = vector.load %arg3[%get3A_6, %get3A_7] : memref<416x1xf32, #tpu.memory_space<vmem>>, vector<416x1xf32>
    %mul3A = vector.broadcast %get3A_8 : vector<416x1xf32> to vector<416x2048xf32>
    %mul3A_9 = arith.mulf %get3A_1, %mul3A : vector<416x2048xf32>
    %reduce_sum3A = arith.constant dense<0.000000e+00> : vector<2048xf32>
    %reduce_sum3A_10 = vector.multi_reduction <add>, %mul3A_9, %reduce_sum3A [0] : vector<416x2048xf32> to vector<2048xf32>
    %mul3A_11 = arith.mulf %get3A_1, %dot_general3A_5 : vector<416x2048xf32>
    %reduce_sum3A_12 = arith.constant dense<0.000000e+00> : vector<2048xf32>
    %reduce_sum3A_13 = vector.multi_reduction <add>, %mul3A_11, %reduce_sum3A_12 [0] : vector<416x2048xf32> to vector<2048xf32>
    %mul3A_14 = arith.constant 5.000000e-01 : f32
    %mul3A_15 = vector.broadcast %mul3A_14 : f32 to vector<2048xf32>
    %mul3A_16 = arith.mulf %mul3A_15, %reduce_sum3A_13 : vector<2048xf32>
    %get3A_17 = arith.constant 0 : index
    %get3A_18 = arith.constant 0 : index
    %get3A_19 = memref.load %arg4[%get3A_17, %get3A_18] : memref<1x1xf32, #tpu.memory_space<smem>>
    %add3A = vector.broadcast %get3A_19 : f32 to vector<2048xf32>
    %add3A_20 = arith.addf %add3A, %reduce_sum3A_10 : vector<2048xf32>
    %add3A_21 = arith.addf %add3A_20, %mul3A_16 : vector<2048xf32>
    %swap3A = arith.constant 0 : index
    %swap3A_22 = vector.load %arg5[%swap3A] : memref<2048xf32, #tpu.memory_space<vmem>>, vector<2048xf32>
    tpu.vector_store %arg5[%swap3A], %add3A_21 {strides = array<i32>} : memref<2048xf32, #tpu.memory_space<vmem>>, vector<2048xf32>,
    return
  }
  func.func @transform_0(%arg0: i32) -> (i32, i32) {
    %c0_i32 = arith.constant 0 : i32
    %c0_i32_0 = arith.constant 0 : i32
    return %c0_i32, %arg0 : i32, i32
  }
  func.func @transform_1(%arg0: i32) -> (i32, i32) {
    %c0_i32 = arith.constant 0 : i32
    %c0_i32_0 = arith.constant 0 : i32
    %c0_i32_1 = arith.constant 0 : i32
    return %c0_i32, %c0_i32_0 : i32, i32
  }
  func.func @transform_2(%arg0: i32) -> (i32, i32) {
    %c0_i32 = arith.constant 0 : i32
    %c0_i32_0 = arith.constant 0 : i32
    %c0_i32_1 = arith.constant 0 : i32
    return %c0_i32, %c0_i32_0 : i32, i32
  }
  func.func @transform_3(%arg0: i32) -> (i32, i32) {
    %c0_i32 = arith.constant 0 : i32
    %c0_i32_0 = arith.constant 0 : i32
    %c0_i32_1 = arith.constant 0 : i32
    return %c0_i32, %c0_i32_0 : i32, i32
  }
  func.func @transform_4(%arg0: i32) -> i32 {
    %c0_i32 = arith.constant 0 : i32
    return %arg0 : i32
  }
}

</mosaic_0001>

<sc_bundles>
// kernel: kernel.4.cloned.1.call-start
scs
__scs_entry_jumppad:
0x0: {  	(pc) =	sbr.rel $0x88, $3  }
0x1: {  	(tag) =	ssettag $0x0;
	lr =	simm.s32 $0x1  }
0x2: {  	[smem:$0x3F9B] =	sst lr;
	_ =	strace $0xD0000000  }
0x3: {  	_ = 	snop  }
0x4: {  	_ = 	snop  }
0x5: {  	_ = 	snop  }
0x6: {  	_ = 	snop  }
0x7: {  	_ = 	snop  }
__scs_overlays_trampoline_lowered:
0x8: {  	[smem:$0x3FAA] =	sst s0  }
0x9: {  	[smem:$0x3FAB] =	sst s1  }
0xa: {  	[smem:$0x3FAC] =	sst s2  }
0xb: {  	[smem:$0x3FAD] =	sst s3  }
0xc: {  	[smem:$0x3FAE] =	sst s4  }
0xd: {  	[smem:$0x3FAF] =	sst s5  }
0xe: {  	[smem:$0x3FB0] =	sst s6  }
0xf: {  	[smem:$0x3FB1] =	sst s7  }
0x10: {  	[smem:$0x3FB2] =	sst s8  }
0x11: {  	[smem:$0x3FB3] =	sst s9;
	s0 =	simm.s32 @!p0 $0x0  }
0x12: {  	s1 =	sld [smem:$0x3F99];
	s0 =	simm.s32 @p0 $0x1  }
0x13: {  	[smem:$0x3FB4] =	sst s0;
	s0 =	simm.s32 @!p1 $0x0  }
0x14: {  	s2 =	sld [smem:$0x3F98];
	s0 =	simm.s32 @p1 $0x1  }
0x15: {  	[smem:$0x3FB5] =	sst s0;
	s0 =	simm.s32 @!p2 $0x0  }
0x16: {  	s3 =	sld [smem:$0x3FDB];
	s0 =	simm.s32 @p2 $0x1  }
0x17: {  	s4 =	simm.s32 $0x1BF5;
	[smem:$0x3FB7] =	sst s0  }
0x18: {  	s0 =	sld [smem:$0x3F9A];
	_ =	swait.ge [sflag:s4], $0x0  }
0x19: {  	s7 =	sld [smem:$0x3F9B]  }
0x1a: {  	s8 =	sadd.s32 $0xFFFFE003, lr  }
0x1b: {  	s9 =	sadd.s32 $0xFFFFFEF7, lr;
	s5 =	simm.s32 $0xFFFFFFFF;
	p2 =	slt.u32 s8, $0xFFFFF086  }
0x1c: {  	p1 =	slt.u32 s9, $0xF7A;
	s5 =	simm.s32 @!p2 $0x0  }
0x1d: {  	s5 =	simm.s32 @p1 $0x1;
	p0 =	seq.s32 s7, s2  }
0x1e: {  	s7 =	smul.u32 @!p0 $0xF7A, s2;
	p2 =	seq.s32 @!p0 s5, $0x0  }
0x1f: {  	s9 =	smul.u32 $0xF7A, s1;
	s8 =	simm.s32 @!p0 $0x1BF5;
	p2 =	por !p2, p0  }
0x20: {  	[sflag:s8] =	ssyncset.s32 @!p0 $0xFFFFF086;
	s6 =	sadd.s32 @!p0 s3, s7;
	s7 =	simm.s32 @!p0 $0x108  }
0x21: {  	s3 =	sadd.s32 s3, s9;
	s6 =	sadd.s32 @!p0 $0x88, s6;
	s7 =	simm.s32 @p2 $0x1082  }
0x22: {  	[simem:s7], [sflag:s8] =	dma.local @!p0 [hbm:s6], $0xF7A  }
0x23: {  	s9 =	sor.u32 $0xD0000000, s2;
	s6 =	simm.s32 $0x108;
	_ =	swait.ge @!p0 [sflag:s8], $0x0  }
0x24: {  	s3 =	sadd.s32 $0x88, s3;
	s6 =	simm.s32 @!p1 $0x1082;
	[sflag:s4] =	ssyncset.s32 $0xFFFFF086  }
0x25: {  	[simem:s6], [sflag:s4] =	dma.local [hbm:s3], $0xF7A  }
0x26: {  	[smem:$0x3F9B] =	sst s1;
	(tag) =	ssettag s2;
	_ =	strace s9  }
0x27: {  	s1 =	sld [smem:$0x3FAB]  }
0x28: {  	s2 =	sld [smem:$0x3FAC]  }
0x29: {  	s4 =	sld [smem:$0x3FAE]  }
0x2a: {  	p0 =	seq.s32 s5, $0x0;
	s5 =	sld [smem:$0x3FAF]  }
0x2b: {  	s6 =	sld [smem:$0x3FB0]  }
0x2c: {  	s7 =	sld [smem:$0x3FB1]  }
0x2d: {  	s3 =	simm.s32 $0x108;
	s8 =	sld [smem:$0x3FB2]  }
0x2e: {  	s3 =	simm.s32 @!p0 $0x1082;
	s9 =	sld [smem:$0x3FB3]  }
0x2f: {  	lr =	sadd.s32 s0, s3;
	s0 =	sld [smem:$0x3FAA]  }
0x30: {  	s3 =	sld [smem:$0x3FAD]  }
0x31: {  	[smem:$0x3FB6] =	sst s10  }
0x32: {  	s10 =	sld [smem:$0x3FB4];
	_ =	sdelay $0x3  }
0x33: {  	p0 =	seq.s32 s10, $0x1;
	s10 =	sld [smem:$0x3FB6];
	_ =	sdelay $0x3  }
0x34: {  	[smem:$0x3FB6] =	sst s10  }
0x35: {  	s10 =	sld [smem:$0x3FB5];
	_ =	sdelay $0x3  }
0x36: {  	p1 =	seq.s32 s10, $0x1;
	s10 =	sld [smem:$0x3FB6];
	_ =	sdelay $0x3  }
0x37: {  	[smem:$0x3FB6] =	sst s10  }
0x38: {  	s10 =	sld [smem:$0x3FB7]  }
0x39: {  	_ = 	snop;
	(pc) =	sbr.ind lr, $3  }
0x3a: {  	_ = 	snop  }
0x3b: {  	_ = 	snop  }
0x3c: {  	p2 =	seq.s32 s10, $0x1;
	s10 =	sld [smem:$0x3FB6]  }
0x3d: {  	_ =	shalt  }
0x3e: {  	_ =	shalt  }
0x3f: {  	_ =	shalt  }
0x40: {  	_ =	shalt  }
0x41: {  	_ =	shalt  }
0x42: {  	_ =	shalt  }
0x43: {  	_ =	shalt  }
0x44: {  	_ =	shalt  }
0x45: {  	_ =	shalt  }
0x46: {  	_ =	shalt  }
0x47: {  	_ =	shalt  }
0x48: {  	_ =	shalt  }
0x49: {  	_ =	shalt  }
0x4a: {  	_ =	shalt  }
0x4b: {  	_ =	shalt  }
0x4c: {  	_ =	shalt  }
0x4d: {  	_ =	shalt  }
0x4e: {  	_ =	shalt  }
0x4f: {  	_ =	shalt  }
0x50: {  	_ =	shalt  }
0x51: {  	_ =	shalt  }
0x52: {  	_ =	shalt  }
0x53: {  	_ =	shalt  }
0x54: {  	_ =	shalt  }
0x55: {  	_ =	shalt  }
0x56: {  	_ =	shalt  }
0x57: {  	_ =	shalt  }
0x58: {  	_ =	shalt  }
0x59: {  	_ =	shalt  }
0x5a: {  	_ =	shalt  }
0x5b: {  	_ =	shalt  }
0x5c: {  	_ =	shalt  }
0x5d: {  	_ =	shalt  }
0x5e: {  	_ =	shalt  }
0x5f: {  	_ =	shalt  }
0x60: {  	_ =	shalt  }
0x61: {  	_ =	shalt  }
0x62: {  	_ =	shalt  }
0x63: {  	_ =	shalt  }
0x64: {  	_ =	shalt  }
0x65: {  	_ =	shalt  }
0x66: {  	_ =	shalt  }
0x67: {  	_ =	shalt  }
0x68: {  	_ =	shalt  }
0x69: {  	_ =	shalt  }
0x6a: {  	_ =	shalt  }
0x6b: {  	_ =	shalt  }
0x6c: {  	_ =	shalt  }
0x6d: {  	_ =	shalt  }
0x6e: {  	_ =	shalt  }
0x6f: {  	_ =	shalt  }
0x70: {  	_ =	shalt  }
0x71: {  	_ =	shalt  }
0x72: {  	_ =	shalt  }
0x73: {  	_ =	shalt  }
0x74: {  	_ =	shalt  }
0x75: {  	_ =	shalt  }
0x76: {  	_ =	shalt  }
0x77: {  	_ =	shalt  }
0x78: {  	_ =	shalt  }
0x79: {  	_ =	shalt  }
0x7a: {  	_ =	shalt  }
0x7b: {  	_ =	shalt  }
0x7c: {  	_ =	shalt  }
0x7d: {  	_ =	shalt  }
0x7e: {  	_ =	shalt  }
0x7f: {  	_ =	shalt  }
0x80: {  	_ =	shalt  }
0x81: {  	_ =	shalt  }
0x82: {  	_ =	shalt  }
0x83: {  	_ =	shalt  }
0x84: {  	_ =	shalt  }
0x85: {  	_ =	shalt  }
0x86: {  	_ =	shalt  }
0x87: {  	_ =	shalt  }
.Lfunc_end0:
.L_simem_size_0:
called_computation_lowered:
.L_overlay_start_0:
0x88: {  	s2 =	sld [smem:$0x3FD9]  }
0x89: {  	s3 =	sld [smem:$0x3FFE];
	_ =	sdelay $0x1  }
0x8a: {  	s1 =	srdreg.scid  }
0x8b: {  	s0 =	sand.u32 $0x1, s1  }
0x8c: {  	s14 =	sshll.u32 s0, $0xA;
	s2 =	sadd.s32 s3, s2  }
0x8d: {  	s2 =	sadd.s32 s2, s14  }
0x8e: {  	[smem:$0x3FC2] =	sst s2  }
0x8f: {  	_ = 	snop  }
0x90: {  	s2 =	sld [smem:$0x3FD0]  }
0x91: {  	s15 =	sld [smem:$0x3FC9]  }
0x92: {  	s4 =	sld [smem:$0x3FC8]  }
0x93: {  	s6 =	simm.s32 $0xA;
	s7 =	simm.s32 $0x10;
	s5 =	sld [smem:$0x3FC7]  }
0x94: {  	[smem:s7], [sflag:s6] =	dma.local [hbm:s2], $0x1  }
0x95: {  	_ =	swait.eq [sflag:s6], $0x1  }
0x96: {  	[sflag:s6] =	ssyncset.done $0x0  }
0x97: {  	[sflag:s6] =	ssyncadd.s32 $0xFFFFFFFF  }
0x98: {  	s16 =	sld [smem:$0x11];
	(tm) =	ssettm $0x1  }
0x99: {  	s17 =	sld [smem:$0x3FFB];
	_ =	sdelay $0x3  }
0x9a: {  	_ =	strace s17  }
0x9b: {  	s6 =	sld [smem:$0x3FFC];
	_ =	sdelay $0x3  }
0x9c: {  	_ =	strace s6  }
0x9d: {  	s6 =	sld [smem:$0x3FFD];
	_ =	sdelay $0x3  }
0x9e: {  	_ =	strace s6  }
0x9f: {  	_ =	strace $0x8FFFFFFF  }
0xa0: {  	s18 =	sld [smem:$0x3FDB];
	_ =	sdelay $0x1  }
0xa1: {  	s19 =	simm.s32 $_scs_section_size  }
0xa2: {  	s8 =	simm.s32 $_size__tile_overlayer_lowered;
	s9 =	simm.s32 $_tile_overlayer_lowered  }
0xa3: {  	s22 =	simm.s32 $0x1BFF;
	s21 =	sshll.u32 s9, $0x1;
	s6 =	sadd.s32 s19, s18  }
0xa4: {  	s10 =	simm.s32 $0x0;
	s20 =	sshll.u32 s8, $0x1;
	s8 =	sadd.s32 s21, s6  }
0xa5: {  	[timem:s10], [sflag:s22] =	dma.local [hbm:s8], s20  }
0xa6: {  	_ =	swait.ge [sflag:s22], s20  }
0xa7: {  	s7 =	ssub.s32 $0x0, s20;
	[sflag:s22] =	ssyncset.done $0x0  }
0xa8: {  	[sflag:s22] =	ssyncadd.s32 s7;
	_ =	sdelay $0x1  }
0xa9: {  	s23 =	simm.s32 $0x1B8B  }
0xaa: {  	_ =	swait.ge [sflag:s23], $0x1  }
0xab: {  	[sflag:s23] =	ssyncset.done $0x0  }
0xac: {  	s25 =	simm.s32 $0x1B8E;
	s24 =	sld [smem:$0x3FFE];
	[sflag:s23] =	ssyncadd.s32 $0xFFFFFFFF  }
0xad: {  	s26 =	simm.s32 $execute0_lowered;
	[smem:$0x3FD2] =	sst s25  }
0xae: {  	s8 =	sshll.u32 s26, $0x1;
	_ =	strace $0x80000046;
	[dreg:$0x1] =	wrdreg $0xFFFFFFFF  }
0xaf: {  	s28 =	simm.s32 $_size_execute0_lowered;
	s6 =	sadd.s32 s6, s8;
	[dreg:$0x0] =	wrdreg $0x0  }
0xb0: {  	s8 =	sshll.u32 s28, $0x1;
	[dreg:$0x2] =	wrdreg s6  }
0xb1: {  	[dreg:$0x3] =	wrdreg s8  }
0xb2: {  	[dreg:$0x4] =	wrdreg $0xC0  }
0xb3: {  	_ =	task [dreg:s10], $0x5FFFF  }
0xb4: {  	[dreg:$0x1] =	wrdreg $0xFFFFFFFF  }
0xb5: {  	[dreg:$0x0] =	wrdreg $0x60  }
0xb6: {  	[dreg:$0x2] =	wrdreg s5  }
0xb7: {  	[dreg:$0x3] =	wrdreg s24  }
0xb8: {  	[dreg:$0x4] =	wrdreg s15  }
0xb9: {  	[dreg:$0x5] =	wrdreg s4  }
0xba: {  	[dreg:$0x6] =	wrdreg s16  }
0xbb: {  	[dreg:$0x7] =	wrdreg $0x9  }
0xbc: {  	_ =	task.clear_ibuf [dreg:s10], $0x8FFFF;
	_ =	strace $0x90000046  }
0xbd: {  	s29 =	simm.s32 $0x9;
	_ =	strace $0x80000048  }
0xbe: {  	_ =	swait.ge [sflag:s29], $0x1  }
0xbf: {  	[sflag:s29] =	ssyncadd.s32 $0xFFFFFFFF  }
0xc0: {  	_ =	strace $0x90000048  }
0xc1: {  	_ =	sfence  }
0xc2: {  	s30 =	sld [smem:$0x0];
	_ =	sdelay $0x2  }
0xc3: {  	s31 =	sshll.u32 s1, $0xD;
	s1 =	sshrl.u32 s1, $0x2  }
0xc4: {  	s3 =	sand.u32 $0x4000, s31;
	s1 =	sadd.s32 s1, s30  }
0xc5: {  	s0 =	sor.u32 s3, s0;
	s1 =	sshll.u32 s1, $0x11  }
0xc6: {  	s0 =	sor.u32 s1, s0  }
0xc7: {  	s0 =	sadd.s32 $0x8F2B, s0  }
0xc8: {  	[sflag:s0] =	ssyncadd.remote.s32 $0x1  }
0xc9: {  	_ =	sfence.sel $0xFFFF  }
0xca: {  	[dreg:$0x0] =	wrdreg $0xFFFFFFFF;
	(pc) =	sbr.abs _section_cstart, $3  }
0xcb: {  	[dreg:$0x1] =	wrdreg $0xFFFFFFFF  }
0xcc: {  	_ =	task.clear_ibuf [dreg:s10], $0x2FFFF;
	_ =	strace $0x9FFFFFFF  }
0xcd: {  	(tm) =	ssettm $0x7FFFFFFF  }
tec
execute0_lowered:
.L_overlay_start_1:
0x0: {  	(tag) =	ssettag $0x1  }
0x1: {  	s1 =	rddreg [dreg:$0x0]  }
0x2: {  	s0 =	rddreg [dreg:$0x1]  }
0x3: {  	s2 =	rddreg [dreg:$0x2];
	s3 =	srdreg.scid  }
0x4: {  	s16 =	stileid.u32;
	s10 =	rddreg [dreg:$0x3]  }
0x5: {  	s11 =	sand.u32 $0x1, s3;
	s4 =	sshll.u32 s16, $0x1;
	s3 =	rddreg [dreg:$0x4]  }
0x6: {  	s6 =	sadd.s32 $0xA00, s0;
	s16 =	smul.u32 $0x1A, s16;
	s7 =	sor.u32 s11, s4  }
0x7: {  	s4 =	simm.s32 $0x0;
	s8 =	ssub.s32 $0x2, s11;
	s23 =	smul.u32 $0xD, s11  }
0x8: {  	s5 =	smul.u32 $0xD, s7;
	[smem:$0x7FF] =	sst s4;
	s19 =	sshrl.u32 s8, $0x1  }
0x9: {  	s15 =	smul.u32 $0x280, s7;
	_ =	strace $0x80000047;
	s0 =	ssub.s32 s8, s19  }
0xa: {  	s11 =	sadd.s32 s23, s16;
	s19 =	simm.s32 $0xC300;
	s23 =	simm.s32 $0x2  }
0xb: {  	s9 =	sshrl.u32 s5, $0x4;
	s21 =	sshll.u32 s5, $0x5;
	s12 =	sand.u32 $0x70, s5  }
0xc: {  	s14 =	sshrl.u32 s5, $0x3;
	s24 =	sand.u32 $0x380, s15;
	s28 =	sshrl.u32 s11, $0x4  }
0xd: {  	s0 =	smax.u32 s0, $0x1;
	s9 =	smin.u32 s9, $0x18;
	s22 =	smul.u32 $0xC3800, s14  }
0xe: {  	s25 =	sshll.u32 s14, $0xA;
	s30 =	sshll.u32 s28, $0xC;
	[dreg:$0x7] =	wrdreg s0  }
0xf: {  	s31 =	sshll.u32 s28, $0x7;
	s20 =	sadd.s32 $0x1, s9;
	s9 =	sand.u32 $0x3000, s21  }
0x10: {  	s15 =	ssub.s32 $0x0, s30;
	s13 =	sshll.u32 s20, $0x9;
	s8 =	sshll.u32 s20, $0x4  }
0x11: {  	s16 =	ssub.s32 $0x0, s31;
	s9 =	sor.u32 s12, s9;
	s8 =	sor.u32 s8, s13  }
0x12: {  	s7 =	sadd.s32 s2, s9;
	s9 =	sadd.s32 s10, s9;
	s13 =	sand.u32 $0x7070, s8  }
0x13: {  	s8 =	sadd.s32 s2, s13;
	s10 =	sadd.s32 s10, s13;
	s13 =	sor.u32 s24, s25  }
0x14: {  	s21 =	simm.s32 $0x3;
	s12 =	sor.u32 s24, s22;
	s13 =	sshrl.u32 s13, $0x3  }
0x15: {  	s22 =	simm.s32 $0x1;
	s26 =	sshrl.u32 s12, $0x3;
	s29 =	sadd.s32 s6, s13  }
0x16: {  	s12 =	sadd.s32 s1, s26;
	s24 =	simm.s32 $0x0;
	[dreg:$0x6] =	wrdreg s29  }
.LBB2_1:
0x17: {  	s0 =	simm.s32 $0x18700  }
0x18: {  	s2 =	simm.s32 $0x80;
	s14 =	sadd.s32 $0x0, s7;
	s13 =	simm.s32 $0x18800  }
.LBB2_2:
0x19: {  	[tilespmem:s0], [sflag:$0x3] =	stream.linear.gather [hbm4b:s14+s4], $0x80, $0x38;
	[tilespmem:$0x1E700] =	vst v63  }
0x1a: {  	s14 =	smov.u32 s2;
	s0 =	smov.u32 s13;
	p0 =	sne.s32 s2, $0xF80  }
.Ltmp0:
0x1b: {  	s2 =	sadd.s32 $0x80, s2;
	(pc) =	sbr.rel @p0 .LBB2_2-.Ltmp0, $2  }
0x1c: {  	_ =	sdelay $0x2  }
0x1d: {  	s13 =	sadd.s32 $0x100, s13;
	s14 =	sadd.s32 s14, s7  }
0x1e: {  	[tilespmem:s0], [sflag:$0x3] =	stream.linear.gather [hbm4b:s14+s4], $0x80, $0x38;
	[tilespmem:$0x1E700] =	vst v63  }
0x1f: {  	s0 =	simm.s32 $0x18780  }
0x20: {  	s2 =	simm.s32 $0x80;
	s14 =	sadd.s32 $0x0, s8;
	s13 =	simm.s32 $0x18880  }
.LBB2_4:
0x21: {  	[tilespmem:s0], [sflag:$0x3] =	stream.linear.gather [hbm4b:s14+s4], $0x80, $0x38;
	[tilespmem:$0x1E700] =	vst v63  }
0x22: {  	s14 =	smov.u32 s2;
	s0 =	smov.u32 s13;
	p0 =	sne.s32 s2, $0xF80  }
.Ltmp1:
0x23: {  	s2 =	sadd.s32 $0x80, s2;
	(pc) =	sbr.rel @p0 .LBB2_4-.Ltmp1, $2  }
0x24: {  	_ =	sdelay $0x2  }
0x25: {  	s13 =	sadd.s32 $0x100, s13;
	s14 =	sadd.s32 s14, s8  }
0x26: {  	[tilespmem:s0], [sflag:$0x3] =	stream.linear.gather [hbm4b:s14+s4], $0x80, $0x38;
	[tilespmem:$0x1E700] =	vst v63  }
0x27: {  	s0 =	simm.s32 $0x1A700  }
0x28: {  	s2 =	simm.s32 $0x80;
	s14 =	sadd.s32 $0x0, s9;
	s13 =	simm.s32 $0x1A800  }
.LBB2_6:
0x29: {  	[tilespmem:s0], [sflag:$0x3] =	stream.linear.gather [hbm4b:s14+s4], $0x80, $0x38;
	[tilespmem:$0x1E700] =	vst v63  }
0x2a: {  	s14 =	smov.u32 s2;
	s0 =	smov.u32 s13;
	p0 =	sne.s32 s2, $0xF80  }
.Ltmp2:
0x2b: {  	s2 =	sadd.s32 $0x80, s2;
	(pc) =	sbr.rel @p0 .LBB2_6-.Ltmp2, $2  }
0x2c: {  	_ =	sdelay $0x2  }
0x2d: {  	s13 =	sadd.s32 $0x100, s13;
	s14 =	sadd.s32 s14, s9  }
0x2e: {  	[tilespmem:s0], [sflag:$0x3] =	stream.linear.gather [hbm4b:s14+s4], $0x80, $0x38;
	[tilespmem:$0x1E700] =	vst v63  }
0x2f: {  	s0 =	simm.s32 $0x1A780  }
0x30: {  	s2 =	simm.s32 $0x80;
	s14 =	sadd.s32 $0x0, s10;
	s13 =	simm.s32 $0x1A880  }
.LBB2_8:
0x31: {  	[tilespmem:s0], [sflag:$0x3] =	stream.linear.gather [hbm4b:s14+s4], $0x80, $0x38;
	[tilespmem:$0x1E700] =	vst v63  }
0x32: {  	s14 =	smov.u32 s2;
	s0 =	smov.u32 s13;
	p0 =	sne.s32 s2, $0xF80  }
.Ltmp3:
0x33: {  	s2 =	sadd.s32 $0x80, s2;
	(pc) =	sbr.rel @p0 .LBB2_8-.Ltmp3, $2  }
0x34: {  	_ =	sdelay $0x2  }
0x35: {  	s13 =	sadd.s32 $0x100, s13;
	s14 =	sadd.s32 s14, s10  }
0x36: {  	[tilespmem:s0], [sflag:$0x3] =	stream.linear.gather [hbm4b:s14+s4], $0x80, $0x38;
	[tilespmem:$0x1E700] =	vst v63  }
0x37: {  	s31 =	simm.s32 $0x0;
	s2 =	simm.s32 $0x80;
	s13 =	simm.s32 $0x400  }
0x38: {  	[tilespmem:s31], [sflag:$0x1] =	stream.strided.gather [hbm4b:s12+s2], $0xC300, s13, s2, $0x38;
	[tilespmem:$0x1E700] =	vst v63  }
0x39: {  	s28 =	sadd.s32 $0xC300, s12  }
0x3a: {  	[tilespmem:s19], [sflag:$0x2] =	stream.strided.gather [hbm4b:s28+s2], $0xC380, s13, s2, $0x38;
	[tilespmem:$0x1E700] =	vst v63  }
0x3b: {  	s29 =	rddreg [dreg:$0x6];
	s30 =	simm.s32 $0x18680  }
0x3c: {  	[tilespmem:s30], [sflag:$0x2] =	stream.linear.gather [hbm4b:s29+s31], $0x80, $0x38;
	[tilespmem:$0x1E700] =	vst v63  }
0x3d: {  	_ =	swait.ge [sflag:s21], $0x1000  }
0x3e: {  	[sflag:s21] =	ssyncset.done $0x0  }
0x3f: {  	[sflag:s21] =	ssyncadd.s32 $0xFFFFF000  }
0x40: {  	_ =	swait.ge [sflag:s21], $0x1000  }
0x41: {  	[sflag:s21] =	ssyncset.done $0x0  }
0x42: {  	[sflag:s21] =	ssyncadd.s32 $0xFFFFF000  }
0x43: {  	_ =	swait.ge [sflag:s21], $0x1000  }
0x44: {  	[sflag:s21] =	ssyncset.done $0x0  }
0x45: {  	[sflag:s21] =	ssyncadd.s32 $0xFFFFF000  }
0x46: {  	_ =	swait.ge [sflag:s21], $0x1000  }
0x47: {  	[sflag:s21] =	ssyncset.done $0x0  }
0x48: {  	p0 =	por $0x0, $0x0;
	s25 =	smov.u32 s11;
	[sflag:s21] =	ssyncadd.s32 $0xFFFFF000  }
.LBB2_11:
0x49: {  	s0 =	sshrl.u32 s25, $0x4;
	p1 =	slt.u32 s31, $0x2  }
0x4a: {  	s2 =	sshll.u32 s0, $0xC;
	s0 =	sshll.u32 s0, $0x7;
	s13 =	simm.s32 @!p1 $0x3  }
0x4b: {  	s2 =	sadd.s32 s2, s15;
	s0 =	sadd.s32 s0, s16;
	_ =	swait.ge @!p1 [sflag:s13], $0x1000  }
0x4c: {  	s2 =	sshll.u32 s2, $0x2;
	s0 =	sshll.u32 s0, $0x2;
	[sflag:s13] =	ssyncset.done @!p1 $0x0  }
0x4d: {  	s2 =	sand.u32 $0xFFFF8000, s2;
	s0 =	sand.u32 $0x200, s0;
	[sflag:s13] =	ssyncadd.s32 @!p1 $0xFFFFF000  }
0x4e: {  	s0 =	sor.u32 s0, s2;
	_ =	swait.ge [sflag:s22], $0xC300  }
0x4f: {  	s0 =	sshra.s32 s0, $0x2;
	[sflag:s22] =	ssyncset.done $0x0  }
0x50: {  	s20 =	sadd.s32 $0x18740, s0;
	[sflag:s22] =	ssyncadd.s32 $0xFFFF3D00  }
0x51: {  	v0 =	vld [tilespmem:s20+$0x30]  }
0x52: {  	v1 =	vld [tilespmem:s20+$0xFFFFFFD0]  }
0x53: {  	v2 =	vld [tilespmem:s20+$0xFFFFFFE0]  }
0x54: {  	v3 =	vld [tilespmem:s20+$0xFFFFFFF0]  }
0x55: {  	v4 =	vld [tilespmem:s20+$0x0]  }
0x56: {  	v5 =	vld [tilespmem:s20+$0x10]  }
0x57: {  	v6 =	vld [tilespmem:s20+$0xFFFFFFC0];
	vm0 =	vlt.s32 v0, $0xC300  }
0x58: {  	v7 =	vld [tilespmem:s20+$0x20];
	vm10 =	vlt.s32 v1, $0xC300;
	v0 =	vnsel vm0, $0x0, v0  }
0x59: {  	vm11 =	vlt.s32 v2, $0xC300;
	v1 =	vnsel vm10, $0x0, v1  }
0x5a: {  	s29 =	sadd.s32 $0x1A740, s0;
	vm12 =	vlt.s32 v3, $0xC300;
	v2 =	vnsel vm11, $0x0, v2  }
0x5b: {  	v11 =	vld [tilespmem:s29+$0x30];
	vm13 =	vlt.s32 v4, $0xC300;
	v3 =	vnsel vm12, $0x0, v3  }
0x5c: {  	v10 =	vld [tilespmem:s29+$0xFFFFFFC0];
	vm15 =	vlt.s32 v6, $0xC300;
	v8 =	vnsel vm13, $0x0, v4  }
0x5d: {  	vm14 =	vlt.s32 v5, $0xC300;
	vm1 =	vlt.s32 v7, $0xC300;
	v6 =	vnsel vm15, $0x0, v6;
	v9 =	vld.idx.msk [tilespmem:v0+s4+$0x0], $0xffff  }
0x5e: {  	v7 =	vnsel vm1, $0x0, v7;
	v0 =	vnsel vm14, $0x0, v5;
	v5 =	vld.idx.msk [tilespmem:v1+s4+$0x0], $0xffff  }
0x5f: {  	v4 =	vld.idx.msk [tilespmem:v2+s4+$0x0], $0xffff  }
0x60: {  	v3 =	vld.idx.msk [tilespmem:v3+s4+$0x0], $0xffff  }
0x61: {  	v1 =	vld.idx.msk [tilespmem:v8+s4+$0x0], $0xffff  }
0x62: {  	v6 =	vld.idx.msk [tilespmem:v6+s4+$0x0], $0xffff  }
0x63: {  	s0 =	simm.s32 $0x1;
	v2 =	vld.idx.msk [tilespmem:v7+s4+$0x0], $0xffff  }
0x64: {  	s0 =	simm.s32 @!p0 $0x0;
	v8 =	vld [tilespmem:s29+$0xFFFFFFE0]  }
0x65: {  	s28 =	sadd.s32 s5, s31;
	s0 =	sshll.u32 s0, $0x7;
	v7 =	vmul.f32 v11, v9;
	v9 =	vld [tilespmem:s29+$0xFFFFFFD0]  }
0x66: {  	s2 =	simm.s32 $0x0;
	s14 =	sadd.s32 $0x100, s20;
	s30 =	sor.u32 $0x1C740, s0;
	v0 =	vld.idx.msk [tilespmem:v0+s4+$0x0], $0xffff  }
0x67: {  	s26 =	sor.u32 $0x1C700, s0;
	s0 =	smov.u32 s29;
	s13 =	smov.u32 s30;
	[tilespmem:s30+$0x30] =	vst v7;
	v7 =	vld [tilespmem:s29+$0xFFFFFFF0]  }
.LBB2_12:
0x68: {  	v11 =	vld [tilespmem:s14+$0x30];
	s2 =	sadd.s32 $0x8, s2  }
0x69: {  	v12 =	vld [tilespmem:s14+$0xFFFFFFD0];
	p1 =	slt.u32 s2, $0xF8;
	v6 =	vmul.f32 v10, v6  }
0x6a: {  	v10 =	vld [tilespmem:s14+$0xFFFFFFE0];
	v5 =	vmul.f32 v9, v5  }
0x6b: {  	v9 =	vld [tilespmem:s14+$0xFFFFFFF0];
	[tilespmem:s13+$0xFFFFFFC0] =	vst v6;
	v4 =	vmul.f32 v8, v4  }
0x6c: {  	v6 =	vld [tilespmem:s14+$0x0];
	[tilespmem:s13+$0xFFFFFFD0] =	vst v5;
	v3 =	vmul.f32 v7, v3  }
0x6d: {  	v5 =	vld [tilespmem:s14+$0x10];
	vm0 =	vlt.s32 v11, $0xC300;
	[tilespmem:s13+$0xFFFFFFE0] =	vst v4  }
0x6e: {  	vm1 =	vlt.s32 v12, $0xC300;
	v4 =	vld [tilespmem:s14+$0x20];
	v7 =	vnsel vm0, $0x0, v11;
	[tilespmem:s13+$0xFFFFFFF0] =	vst v3  }
0x6f: {  	v3 =	vld [tilespmem:s14+$0xFFFFFFC0];
	v8 =	vnsel vm1, $0x0, v12;
	vm0 =	vlt.s32 v10, $0xC300  }
0x70: {  	v10 =	vnsel vm0, $0x0, v10;
	vm0 =	vlt.s32 v9, $0xC300;
	v11 =	vld [tilespmem:s0+$0x0]  }
0x71: {  	v9 =	vnsel vm0, $0x0, v9;
	vm0 =	vlt.s32 v6, $0xC300;
	v12 =	vld [tilespmem:s0+$0x10]  }
0x72: {  	v6 =	vnsel vm0, $0x0, v6;
	vm0 =	vlt.s32 v5, $0xC300;
	v13 =	vld [tilespmem:s0+$0x20]  }
0x73: {  	s0 =	sadd.s32 $0x100, s0;
	v14 =	vnsel vm0, $0x0, v5;
	vm0 =	vlt.s32 v4, $0xC300;
	v7 =	vld.idx.msk [tilespmem:v7+s4+$0x0], $0xffff  }
0x74: {  	vm1 =	vlt.s32 v3, $0xC300;
	v15 =	vnsel vm0, $0x0, v4;
	v16 =	vld [tilespmem:s0+$0x30]  }
0x75: {  	v17 =	vnsel vm1, $0x0, v3;
	v5 =	vld.idx.msk [tilespmem:v8+s4+$0x0], $0xffff;
	v1 =	vmul.f32 v11, v1  }
0x76: {  	v4 =	vld.idx.msk [tilespmem:v10+s4+$0x0], $0xffff;
	v0 =	vmul.f32 v12, v0  }
0x77: {  	v3 =	vld.idx.msk [tilespmem:v9+s4+$0x0], $0xffff;
	[tilespmem:s13+$0x0] =	vst v1;
	v2 =	vmul.f32 v13, v2  }
0x78: {  	v1 =	vld.idx.msk [tilespmem:v6+s4+$0x0], $0xffff;
	[tilespmem:s13+$0x10] =	vst v0  }
0x79: {  	v0 =	vld.idx.msk [tilespmem:v14+s4+$0x0], $0xffff;
	v7 =	vmul.f32 v16, v7;
	[tilespmem:s13+$0x20] =	vst v2  }
0x7a: {  	s13 =	sadd.s32 $0x100, s13;
	v6 =	vld.idx.msk [tilespmem:v17+s4+$0x0], $0xffff  }
.Ltmp4:
0x7b: {  	v2 =	vld.idx.msk [tilespmem:v15+s4+$0x0], $0xffff;
	[tilespmem:s13+$0x30] =	vst v7;
	(pc) =	sbr.rel @p1 .LBB2_12-.Ltmp4, $4  }
0x7c: {  	v10 =	vld [tilespmem:s0+$0xFFFFFFC0]  }
0x7d: {  	v9 =	vld [tilespmem:s0+$0xFFFFFFD0]  }
0x7e: {  	v8 =	vld [tilespmem:s0+$0xFFFFFFE0]  }
0x7f: {  	s14 =	sadd.s32 $0x100, s14;
	v7 =	vld [tilespmem:s0+$0xFFFFFFF0]  }
0x80: {  	v11 =	vld [tilespmem:s0+$0x0]  }
0x81: {  	v6 =	vmul.f32 v10, v6;
	v10 =	vld [tilespmem:s0+$0x10]  }
0x82: {  	p1 =	seq.s32 s31, $0xC;
	v5 =	vmul.f32 v9, v5;
	v9 =	vld [tilespmem:s0+$0x20]  }
0x83: {  	s0 =	sadd.s32 @!p1 $0x1, s28;
	[tilespmem:s13+$0xFFFFFFC0] =	vst v6;
	v4 =	vmul.f32 v8, v4  }
0x84: {  	s2 =	sshrl.u32 @!p1 s0, $0x3;
	[tilespmem:s13+$0xFFFFFFD0] =	vst v5;
	v3 =	vmul.f32 v7, v3  }
0x85: {  	s0 =	sshll.u32 @!p1 s0, $0x7;
	s14 =	smul.u32 @!p1 $0xC3800, s2;
	[tilespmem:s13+$0xFFFFFFE0] =	vst v4;
	v1 =	vmul.f32 v11, v1  }
0x86: {  	s0 =	sand.u32 @!p1 $0x380, s0;
	[tilespmem:s13+$0xFFFFFFF0] =	vst v3;
	v0 =	vmul.f32 v10, v0  }
0x87: {  	s14 =	sor.u32 @!p1 s0, s14;
	[tilespmem:s13+$0x0] =	vst v1;
	v1 =	vmul.f32 v9, v2  }
0x88: {  	s18 =	simm.s32 @!p1 $0x0;
	s14 =	sshrl.u32 @!p1 s14, $0x3;
	[tilespmem:s13+$0x10] =	vst v0  }
0x89: {  	s17 =	sadd.s32 @!p1 s1, s14;
	s14 =	simm.s32 @!p1 $0x400;
	[tilespmem:s13+$0x20] =	vst v1;
	s13 =	simm.s32 @!p1 $0x80  }
0x8a: {  	[tilespmem:s18], [sflag:$0x1] =	stream.strided.gather @!p1 [hbm4b:s17+s13], $0xC300, s14, s13, $0x38;
	[tilespmem:$0x1E700] =	vst v63  }
0x8b: {  	_ =	swait.ge [sflag:s23], $0xC380  }
0x8c: {  	[sflag:s23] =	ssyncset.done $0x0  }
0x8d: {  	[sflag:s23] =	ssyncadd.s32 $0xFFFF3C80  }
0x8e: {  	_ =	swait.ge [sflag:s23], $0x80  }
0x8f: {  	[sflag:s23] =	ssyncset.done $0x0  }
0x90: {  	[sflag:s23] =	ssyncadd.s32 $0xFFFFFF80  }
0x91: {  	v0 =	vld [tilespmem:s20+$0x30]  }
0x92: {  	v1 =	vld [tilespmem:s20+$0xFFFFFFD0]  }
0x93: {  	v4 =	vld [tilespmem:s20+$0xFFFFFFE0]  }
0x94: {  	v5 =	vld [tilespmem:s20+$0xFFFFFFF0]  }
0x95: {  	v6 =	vld [tilespmem:s20+$0x0]  }
0x96: {  	v8 =	vld [tilespmem:s20+$0x10]  }
0x97: {  	v7 =	vld [tilespmem:s20+$0xFFFFFFC0]  }
0x98: {  	v9 =	vld [tilespmem:s20+$0x20]  }
0x99: {  	v14 =	vld [tilespmem:s29+$0x30]  }
0x9a: {  	v17 =	vld [tilespmem:s30+$0x30];
	vm0 =	vgt.s32 v0, $0xC300  }
0x9b: {  	v62 =	vld [tilespmem:s29+$0xFFFFFFC0];
	vm1 =	vgt.s32 v8, $0xC300;
	vm5 =	vgt.s32 v4, $0xC2FF;
	v2 =	vnsel vm0, $0xC300, v0  }
0x9c: {  	v19 =	vld [tilespmem:s29+$0xFFFFFFD0];
	vm0 =	vgt.s32 v1, $0xC300;
	v15 =	vnsel vm1, $0xC300, v8;
	v2 =	vadd.s32 $0xFFFF3D00, v2  }
0x9d: {  	v20 =	vld [tilespmem:s29+$0xFFFFFFE0];
	vm1 =	vgt.s32 v5, $0xC2FF;
	v3 =	vnsel vm0, $0xC300, v1;
	vm0 =	vgt.s32 v4, $0xC300  }
0x9e: {  	v63 =	vld [tilespmem:s29+$0x0];
	v3 =	vadd.s32 $0xFFFF3D00, v3;
	v10 =	vnsel vm0, $0xC300, v4;
	vm0 =	vgt.s32 v5, $0xC300  }
0x9f: {  	v4 =	vld [tilespmem:s29+$0x10];
	v10 =	vadd.s32 $0xFFFF3D00, v10;
	v11 =	vnsel vm0, $0xC300, v5;
	vm0 =	vgt.s32 v6, $0xC300  }
0xa0: {  	v5 =	vld [tilespmem:s29+$0x20];
	v11 =	vadd.s32 $0xFFFF3D00, v11;
	v12 =	vnsel vm0, $0xC300, v6;
	vm0 =	vgt.s32 v7, $0xC300  }
0xa1: {  	v60 =	vnsel vm0, $0xC300, v7;
	vm0 =	vgt.s32 v9, $0xC300;
	v13 =	vld.idx.msk [tilespmem:v2+s19+$0x0], $0xffff;
	v2 =	vadd.s32 $0xFFFF3D00, v12  }
0xa2: {  	v12 =	vadd.s32 $0xFFFF3D00, v60;
	v61 =	vnsel vm0, $0xC300, v9;
	vm0 =	vgt.s32 v1, $0xC2FF;
	v1 =	vld [tilespmem:s29+$0xFFFFFFF0]  }
0xa3: {  	v16 =	vld.idx.msk [tilespmem:v3+s19+$0x0], $0xffff;
	v3 =	vadd.s32 $0xFFFF3D00, v15  }
0xa4: {  	v15 =	vadd.s32 $0xFFFF3D00, v61;
	v10 =	vld.idx.msk [tilespmem:v10+s19+$0x0], $0xffff  }
0xa5: {  	v11 =	vld.idx.msk [tilespmem:v11+s19+$0x0], $0xffff  }
0xa6: {  	v18 =	vld.idx.msk [tilespmem:v2+s19+$0x0], $0xffff  }
0xa7: {  	vm6 =	vgt.s32 v7, $0xC2FF;
	v12 =	vld.idx.msk [tilespmem:v12+s19+$0x0], $0xffff  }
0xa8: {  	vm2 =	vgt.s32 v6, $0xC2FF;
	vm3 =	vgt.s32 v0, $0xC2FF;
	v7 =	vmul.f32 v14, v13;
	v3 =	vld.idx.msk [tilespmem:v3+s19+$0x0], $0xffff  }
0xa9: {  	vm4 =	vgt.s32 v8, $0xC2FF;
	vm7 =	vgt.s32 v9, $0xC2FF;
	vm2 =	vmmov vm2;
	v2 =	vld.idx.msk [tilespmem:v15+s19+$0x0], $0xffff  }
0xaa: {  	vm1 =	vmmov vm1;
	v9 =	vld [tilespmem:s30+$0xFFFFFFC0];
	v0 =	vsel vm3, v7, v17;
	v7 =	vmul.f32 v19, v16  }
0xab: {  	s31 =	sadd.s32 $0x1, s31;
	s18 =	sshll.u32 s28, $0x4;
	s13 =	simm.s32 $0x0;
	vm3 =	vmmov vm4;
	v8 =	vmul.f32 v20, v10;
	v10 =	vld [tilespmem:s30+$0xFFFFFFD0];
	[tilespmem:s30+$0x30] =	vst v0;
	v0 =	vmul.f32 v1, v11  }
0xac: {  	s14 =	sadd.s32 $0x100, s20;
	s18 =	sand.u32 $0x70, s18;
	s20 =	smov.u32 s30;
	vm4 =	vmmov vm7;
	v11 =	vld [tilespmem:s30+$0xFFFFFFE0];
	v6 =	vmul.f32 v62, v12;
	v1 =	vmul.f32 v63, v18  }
.LBB2_14:
0xad: {  	v12 =	vld [tilespmem:s14+$0x30];
	s13 =	sadd.s32 $0x8, s13;
	v3 =	vmul.f32 v4, v3  }
0xae: {  	v4 =	vld [tilespmem:s14+$0xFFFFFFD0];
	p2 =	slt.u32 s13, $0xF8;
	v2 =	vmul.f32 v5, v2  }
0xaf: {  	v5 =	vld [tilespmem:s14+$0xFFFFFFE0];
	v6 =	vsel vm6, v6, v9  }
0xb0: {  	v9 =	vld [tilespmem:s14+$0xFFFFFFF0];
	[tilespmem:s30+$0xFFFFFFC0] =	vst v6;
	v6 =	vsel vm0, v7, v10  }
0xb1: {  	v7 =	vld [tilespmem:s14+$0x0];
	[tilespmem:s30+$0xFFFFFFD0] =	vst v6;
	v6 =	vsel vm5, v8, v11  }
0xb2: {  	v8 =	vld [tilespmem:s14+$0x10];
	vm5 =	vgt.s32 v12, $0xC300;
	[tilespmem:s30+$0xFFFFFFE0] =	vst v6  }
0xb3: {  	vm0 =	vgt.s32 v4, $0xC2FF;
	vm6 =	vgt.s32 v4, $0xC300;
	v6 =	vld [tilespmem:s14+$0x20];
	v10 =	vnsel vm5, $0xC300, v12  }
0xb4: {  	v11 =	vld [tilespmem:s14+$0xFFFFFFC0];
	v4 =	vnsel vm6, $0xC300, v4;
	vm5 =	vgt.s32 v5, $0xC300;
	v10 =	vadd.s32 $0xFFFF3D00, v10  }
0xb5: {  	v4 =	vadd.s32 $0xFFFF3D00, v4;
	v13 =	vnsel vm5, $0xC300, v5;
	vm5 =	vgt.s32 v9, $0xC300;
	v14 =	vld [tilespmem:s30+$0xFFFFFFF0]  }
0xb6: {  	v13 =	vadd.s32 $0xFFFF3D00, v13;
	v15 =	vnsel vm5, $0xC300, v9;
	vm5 =	vgt.s32 v7, $0xC300;
	v16 =	vld [tilespmem:s30+$0x0]  }
0xb7: {  	v15 =	vadd.s32 $0xFFFF3D00, v15;
	v17 =	vnsel vm5, $0xC300, v7;
	vm5 =	vgt.s32 v8, $0xC300;
	v18 =	vld [tilespmem:s30+$0x10]  }
0xb8: {  	v17 =	vadd.s32 $0xFFFF3D00, v17;
	v19 =	vnsel vm5, $0xC300, v8;
	vm5 =	vgt.s32 v6, $0xC300;
	v20 =	vld [tilespmem:s30+$0x20]  }
0xb9: {  	s29 =	sadd.s32 $0x100, s29;
	vm7 =	vgt.s32 v11, $0xC300;
	v19 =	vadd.s32 $0xFFFF3D00, v19;
	v21 =	vnsel vm5, $0xC300, v6;
	v10 =	vld.idx.msk [tilespmem:v10+s19+$0x0], $0xffff  }
0xba: {  	vm6 =	vgt.s32 v11, $0xC2FF;
	v11 =	vnsel vm7, $0xC300, v11;
	v21 =	vadd.s32 $0xFFFF3D00, v21;
	v22 =	vld [tilespmem:s29+$0x30]  }
0xbb: {  	s30 =	sadd.s32 $0x100, s30;
	vm5 =	vgt.s32 v5, $0xC2FF;
	vm7 =	vgt.s32 v9, $0xC2FF;
	v11 =	vadd.s32 $0xFFFF3D00, v11;
	v23 =	vld.idx.msk [tilespmem:v4+s19+$0x0], $0xffff  }
0xbc: {  	vm8 =	vgt.s32 v7, $0xC2FF;
	vm9 =	vgt.s32 v8, $0xC2FF;
	vm10 =	vgt.s32 v6, $0xC2FF;
	v4 =	vld [tilespmem:s30+$0x30]  }
0xbd: {  	v0 =	vsel vm1, v0, v14;
	v1 =	vsel vm2, v1, v16;
	v3 =	vsel vm3, v3, v18;
	v8 =	vld.idx.msk [tilespmem:v13+s19+$0x0], $0xffff  }
0xbe: {  	vm1 =	vmmov vm7;
	vm2 =	vmmov vm8;
	v13 =	vld.idx.msk [tilespmem:v15+s19+$0x0], $0xffff;
	[tilespmem:s20+$0xFFFFFFF0] =	vst v0;
	v0 =	vsel vm4, v2, v20  }
0xbf: {  	vm3 =	vmmov vm9;
	vm4 =	vmmov vm10;
	v14 =	vld.idx.msk [tilespmem:v17+s19+$0x0], $0xffff;
	v2 =	vmul.f32 v22, v10;
	[tilespmem:s20+$0x0] =	vst v1  }
0xc0: {  	vm7 =	vgt.s32 v12, $0xC2FF;
	v1 =	vld.idx.msk [tilespmem:v11+s19+$0x0], $0xffff;
	[tilespmem:s20+$0x10] =	vst v3  }
0xc1: {  	v3 =	vld.idx.msk [tilespmem:v19+s19+$0x0], $0xffff;
	v4 =	vsel vm7, v2, v4;
	[tilespmem:s20+$0x20] =	vst v0;
	s20 =	smov.u32 s30  }
0xc2: {  	v2 =	vld.idx.msk [tilespmem:v21+s19+$0x0], $0xffff;
	[tilespmem:s30+$0x30] =	vst v4  }
0xc3: {  	v0 =	vld [tilespmem:s29+$0xFFFFFFC0]  }
0xc4: {  	v5 =	vld [tilespmem:s29+$0xFFFFFFD0]  }
0xc5: {  	v10 =	vld [tilespmem:s29+$0xFFFFFFE0]  }
0xc6: {  	v11 =	vld [tilespmem:s29+$0xFFFFFFF0]  }
0xc7: {  	v12 =	vld [tilespmem:s29+$0x0]  }
.Ltmp5:
0xc8: {  	v6 =	vmul.f32 v0, v1;
	v4 =	vld [tilespmem:s29+$0x10];
	(pc) =	sbr.rel @p2 .LBB2_14-.Ltmp5, $4  }
0xc9: {  	v7 =	vmul.f32 v5, v23;
	v5 =	vld [tilespmem:s29+$0x20]  }
0xca: {  	v9 =	vld [tilespmem:s30+$0xFFFFFFC0];
	v8 =	vmul.f32 v10, v8  }
0xcb: {  	v10 =	vld [tilespmem:s30+$0xFFFFFFD0];
	v0 =	vmul.f32 v11, v13  }
0xcc: {  	s14 =	sadd.s32 $0x100, s14;
	v11 =	vld [tilespmem:s30+$0xFFFFFFE0];
	v1 =	vmul.f32 v12, v14  }
0xcd: {  	v12 =	vld [tilespmem:s30+$0xFFFFFFF0]  }
0xce: {  	v13 =	vld [tilespmem:s30+$0x0]  }
0xcf: {  	v58 =	vld [tilespmem:s30+$0x10];
	v6 =	vsel vm6, v6, v9  }
0xd0: {  	v60 =	vld [tilespmem:s30+$0x20];
	[tilespmem:s30+$0xFFFFFFC0] =	vst v6;
	v59 =	vsel vm0, v7, v10  }
0xd1: {  	[tilespmem:s30+$0xFFFFFFD0] =	vst v59;
	v61 =	vsel vm5, v8, v11  }
0xd2: {  	v3 =	vmul.f32 v4, v3;
	[tilespmem:s30+$0xFFFFFFE0] =	vst v61;
	v0 =	vsel vm1, v0, v12  }
0xd3: {  	v2 =	vmul.f32 v5, v2;
	v1 =	vsel vm2, v1, v13;
	[tilespmem:s20+$0xFFFFFFF0] =	vst v0  }
0xd4: {  	s13 =	sadd.s32 @!p1 $0xC300, s17;
	s2 =	sshll.u32 @!p1 s2, $0xA;
	v62 =	vsel vm3, v3, v58;
	[tilespmem:s20+$0x0] =	vst v1  }
0xd5: {  	s14 =	simm.s32 @!p1 $0x80;
	s17 =	simm.s32 @!p1 $0x400;
	s0 =	sor.u32 @!p1 s0, s2;
	v63 =	vsel vm4, v2, v60;
	[tilespmem:s20+$0x10] =	vst v62  }
0xd6: {  	s29 =	sshll.u32 s28, $0x9;
	s0 =	sshrl.u32 @!p1 s0, $0x3;
	[tilespmem:s20+$0x20] =	vst v63;
	s20 =	simm.s32 @!p1 $0xC300  }
0xd7: {  	[tilespmem:s20], [sflag:$0x2] =	stream.strided.gather @!p1 [hbm4b:s13+s14], $0xC380, s17, s14, $0x38;
	[tilespmem:$0x1E700] =	vst v63  }
0xd8: {  	s2 =	simm.s32 @!p1 $0x0;
	s0 =	sadd.s32 @!p1 s6, s0;
	s13 =	simm.s32 @!p1 $0x18680  }
0xd9: {  	[tilespmem:s13], [sflag:$0x2] =	stream.linear.gather @!p1 [hbm4b:s0+s2], $0x80, $0x38;
	[tilespmem:$0x1E700] =	vst v63  }
0xda: {  	s30 =	sadd.s32 s3, s18;
	s0 =	sand.u32 $0xFFFF000, s29  }
0xdb: {  	s0 =	sadd.s32 s0, s30  }
0xdc: {  	s2 =	simm.s32 $0x80;
	s13 =	sadd.s32 $0x100, s26;
	s14 =	sadd.s32 $0x0, s0  }
.LBB2_16:
0xdd: {  	[hbm4b:s14+s4] =	stream.linear.scatter [tilespmem:s26], [sflag:$0x3], $0x80, $0x38;
	[tilespmem:$0x1E700] =	vst v63  }
0xde: {  	s14 =	smov.u32 s2;
	s26 =	smov.u32 s13;
	p1 =	seq.s32 s2, $0xF80  }
.Ltmp6:
0xdf: {  	s2 =	sadd.s32 $0x80, s2;
	(pc) =	sbr.rel @!p1 .LBB2_16-.Ltmp6, $2  }
0xe0: {  	_ =	sdelay $0x2  }
0xe1: {  	s13 =	sadd.s32 $0x100, s13;
	s14 =	sadd.s32 s14, s0  }
0xe2: {  	[hbm4b:s14+s4] =	stream.linear.scatter [tilespmem:s26], [sflag:$0x3], $0x80, $0x38;
	[tilespmem:$0x1E700] =	vst v63  }
0xe3: {  	p1 =	seq.s32 s31, $0xD  }
.Ltmp7:
0xe4: {  	_ = 	snop;
	(pc) =	sbr.rel @!p1 .LBB2_11-.Ltmp7, $2  }
0xe5: {  	_ =	sdelay $0x2  }
0xe6: {  	s25 =	sadd.s32 $0x1, s25;
	p0 =	por !p0, !p0  }
0xe7: {  	_ =	swait.ge [sflag:s21], $0x1000  }
0xe8: {  	[sflag:s21] =	ssyncset.done $0x0  }
0xe9: {  	[sflag:s21] =	ssyncadd.s32 $0xFFFFF000  }
0xea: {  	_ =	swait.ge [sflag:s21], $0x1000  }
0xeb: {  	s24 =	sadd.s32 $0x1, s24;
	s0 =	rddreg [dreg:$0x7]  }
0xec: {  	p0 =	sne.s32 s24, s0  }
.Ltmp8:
0xed: {  	_ = 	snop;
	(pc) =	sbr.rel @p0 .LBB2_1-.Ltmp8, $3  }
0xee: {  	_ =	sdelay $0x1  }
0xef: {  	[sflag:s21] =	ssyncset.done $0x0  }
0xf0: {  	[sflag:s21] =	ssyncadd.s32 $0xFFFFF000  }
0xf1: {  	_ =	sfence.sel $0x180000  }
0xf2: {  	[bflag:$0x0] =	sbarrier.arrive $0xFFFF  }
0xf3: {  	_ =	strace $0x90000047  }
0xf4: {  	s0 =	stileid.u32;
	[bflag:$0x2] =	sbarrier.arrive $0xFFFF  }
0xf5: {  	p0 =	sne.s32 s0, $0x0;
	s0 =	rddreg [dreg:$0x5]  }
0xf6: {  	s0 =	sadd.s32 @!p0 $0x100000, s0  }
0xf7: {  	[sflag:s0] =	ssyncadd.tile.s32 @!p0 $0x1;
	_ =	shalt  }
.Lfunc_end2:
_tile_overlayer_lowered:
.L_overlay_start_2:
0xf8: {  	(tag) =	ssettag $0x2  }
0xf9: {  	s0 =	rddreg [dreg:$0x0];
	s2 =	stileid.u32  }
0xfa: {  	s1 =	rddreg [dreg:$0x1];
	p0 =	sne.s32 s2, $0x0  }
0xfb: {  	s3 =	rddreg [dreg:$0x2];
	[bflag:$0x3] =	sbarrier.arrive $0xFFFF;
	s2 =	simm.s32 @!p0 $0x1C04  }
0xfc: {  	[timem:s3], [sflag:s2] =	dma.local @!p0 [hbm:s0], s1  }
0xfd: {  	s0 =	simm.s32 @!p0 $0x4  }
0xfe: {  	_ =	swait.ge @!p0 [sflag:s0], s1  }
0xff: {  	s1 =	ssub.s32 @!p0 $0x0, s1;
	[sflag:s0] =	ssyncset.done @!p0 $0x0  }
0x100: {  	[sflag:s0] =	ssyncadd.s32 @!p0 s1  }
0x101: {  	[bflag:$0x3] =	sbarrier.arrive $0xFFFF  }
0x102: {  	_ =	shalt  }

</sc_bundles>
